<compile_context>
chip_gen: v7x
topology: tpu7x:2x2x1
jax: 0.10.2.dev20260603
libtpu: 0.0.44.dev20260713+nightly
codegen_flags: <defaults>
</compile_context>

<pallas_src>
import functools

import jax
import jax.numpy as jnp
from jax import lax
from jax.experimental import pallas as pl
from jax.experimental.pallas import tpu as pltpu
from jax.experimental.pallas import tpu_sc as plsc

N = 10000
E = 320000
D = 128
NC = 2
NS = 16
NW = NC * NS
CHUNK = 128
CHUNKS_PER_W = 79
EPW = CHUNKS_PER_W * CHUNK
E_PAD = EPW * NW
CH0 = 118
CH1 = 2 * CHUNKS_PER_W - CH0
N_PAD = N + 112
RPT = N_PAD // NS


def _deg_body(rows_hbm, ones_hbm, z16_hbm, deg_out, ridx_all, ones_v, deg_sh):
    c = lax.axis_index("c")
    s = lax.axis_index("s")
    w = c * NS + s
    pltpu.sync_copy(ones_hbm, ones_v)
    pltpu.sync_copy(rows_hbm.at[pl.ds(w * CHUNKS_PER_W, CHUNKS_PER_W)],
                    ridx_all)
    pltpu.sync_copy(z16_hbm.at[pl.ds(s * RPT, RPT)],
                    deg_sh.at[pl.ds(s * RPT, RPT)])
    plsc.subcore_barrier()

    def body(i, carry):
        pltpu.sync_copy(ones_v, deg_sh.at[ridx_all.at[i]], add=True)
        return carry

    lax.fori_loop(0, CHUNKS_PER_W, body, 0)
    plsc.subcore_barrier()
    pltpu.sync_copy(deg_sh.at[pl.ds(s * RPT, RPT)],
                    deg_out.at[c, pl.ds(s * RPT, RPT)])



def _seg_body(rows_hbm, cols_hbm, y_hbm, s_out,
              ridx_v, cidx_v, ridx_v1, cidx_v1, gbuf, gbuf1, s_sh, sem, sem1):
    c = lax.axis_index("c")
    s = lax.axis_index("s")

    zero = jnp.zeros((16,), jnp.float32)

    def zrow(i, carry):
        for j in range(D // 16):
            gbuf[i, pl.ds(j * 16, 16)] = zero
        return carry

    lax.fori_loop(0, CHUNK, zrow, 0)
    for off in range(0, RPT - CHUNK + 1, CHUNK):
        pltpu.sync_copy(gbuf, s_sh.at[pl.ds(s * RPT + off, CHUNK)])
    _tail = RPT % CHUNK
    if _tail:
        pltpu.sync_copy(gbuf.at[pl.ds(0, _tail)],
                        s_sh.at[pl.ds(s * RPT + RPT - _tail, _tail)])
    plsc.subcore_barrier()

    chunk0 = jnp.where(c == 0, s * CH0, NS * CH0 + s * CH1)
    npairs = jnp.where(c == 0, CH0 // 2, CH1 // 2)

    def load_idx(i, ridx, cidx):
        base = (chunk0 + i) * CHUNK
        pltpu.sync_copy(rows_hbm.at[pl.ds(base, CHUNK)], ridx)
        pltpu.sync_copy(cols_hbm.at[pl.ds(base, CHUNK)], cidx)

    load_idx(0, ridx_v, cidx_v)
    pltpu.async_copy(y_hbm.at[ridx_v], gbuf, sem)

    def body(p, carry):
        i0 = 2 * p
        load_idx(i0 + 1, ridx_v1, cidx_v1)
        pltpu.async_copy(y_hbm.at[ridx_v1], gbuf1, sem1)
        pltpu.make_async_copy(y_hbm.at[ridx_v], gbuf, sem).wait()
        pltpu.sync_copy(gbuf, s_sh.at[cidx_v], add=True)

        @pl.when(p < npairs - 1)
        def _():
            load_idx(i0 + 2, ridx_v, cidx_v)
            pltpu.async_copy(y_hbm.at[ridx_v], gbuf, sem)

        pltpu.make_async_copy(y_hbm.at[ridx_v1], gbuf1, sem1).wait()
        pltpu.sync_copy(gbuf1, s_sh.at[cidx_v1], add=True)
        return carry

    lax.fori_loop(0, npairs, body, 0)
    plsc.subcore_barrier()
    pltpu.sync_copy(s_sh.at[pl.ds(s * RPT, RPT)],
                    s_out.at[c, pl.ds(s * RPT, RPT)])


@functools.cache
def _sc_kernels():
    mesh = plsc.VectorSubcoreMesh(
        core_axis_name="c", subcore_axis_name="s",
        num_cores=NC, num_subcores=NS)
    deg_kernel = pl.kernel(
        _deg_body,
        out_type=jax.ShapeDtypeStruct((NC, N_PAD, 16), jnp.float32),
        mesh=mesh,
        compiler_params=pltpu.CompilerParams(use_tc_tiling_on_sc=False),
        scratch_types=[
            pltpu.VMEM((CHUNKS_PER_W, CHUNK), jnp.int32),
            pltpu.VMEM((CHUNK, 16), jnp.float32),
            pltpu.VMEM_SHARED((N_PAD, 16), jnp.float32),
        ],
    )
    seg_kernel = pl.kernel(
        _seg_body,
        out_type=jax.ShapeDtypeStruct((NC, N_PAD, D), jnp.float32),
        mesh=mesh,
        scratch_types=[
            pltpu.VMEM((CHUNK,), jnp.int32),
            pltpu.VMEM((CHUNK,), jnp.int32),
            pltpu.VMEM((CHUNK,), jnp.int32),
            pltpu.VMEM((CHUNK,), jnp.int32),
            pltpu.VMEM((CHUNK, D), jnp.float32),
            pltpu.VMEM((CHUNK, D), jnp.float32),
            pltpu.VMEM_SHARED((N_PAD, D), jnp.float32),
            pltpu.SemaphoreType.DMA,
            pltpu.SemaphoreType.DMA,
        ],
    )
    return deg_kernel, seg_kernel



def _y_body(x_ref, w_ref, deg_ref, y_ref):
    deg = deg_ref[0, :, 0:1] + deg_ref[1, :, 0:1] + 1.0
    dinv = lax.rsqrt(deg)
    xl = lax.dot_general(x_ref[...], w_ref[...], (((1,), (1,)), ((), ())),
                         preferred_element_type=jnp.float32)
    y_ref[...] = dinv * xl


BRB = 2528

_y_call = pl.pallas_call(
    _y_body,
    grid=(N_PAD // BRB,),
    in_specs=[
        pl.BlockSpec((BRB, D), lambda i: (i, 0)),
        pl.BlockSpec((D, D), lambda i: (0, 0)),
        pl.BlockSpec((NC, BRB, 16), lambda i: (0, i, 0)),
    ],
    out_specs=pl.BlockSpec((BRB, D), lambda i: (i, 0)),
    out_shape=jax.ShapeDtypeStruct((N_PAD, D), jnp.float32),
)



BR = 1000


def _agg_body(s_ref, y_ref, deg_ref, b_ref, agg_ref, stats_ref):
    i = pl.program_id(0)
    deg = deg_ref[0, :, 0:1] + deg_ref[1, :, 0:1] + 1.0
    dinv = lax.rsqrt(deg)
    agg = dinv * (s_ref[0] + s_ref[1] + y_ref[...]) + b_ref[...]
    agg_ref[...] = agg
    st = jnp.concatenate(
        [jnp.sum(agg, axis=0, keepdims=True),
         jnp.sum(agg * agg, axis=0, keepdims=True)], axis=0)

    @pl.when(i == 0)
    def _init():
        stats_ref[...] = st

    @pl.when(i > 0)
    def _acc():
        stats_ref[...] += st


_agg_call = pl.pallas_call(
    _agg_body,
    grid=(N // BR,),
    in_specs=[
        pl.BlockSpec((NC, BR, D), lambda i: (0, i, 0)),
        pl.BlockSpec((BR, D), lambda i: (i, 0)),
        pl.BlockSpec((NC, BR, 16), lambda i: (0, i, 0)),
        pl.BlockSpec((1, D), lambda i: (0, 0)),
    ],
    out_specs=[
        pl.BlockSpec((BR, D), lambda i: (i, 0)),
        pl.BlockSpec((2, D), lambda i: (0, 0)),
    ],
    out_shape=[
        jax.ShapeDtypeStruct((N, D), jnp.float32),
        jax.ShapeDtypeStruct((2, D), jnp.float32),
    ],
)



def _fin_body(agg_ref, stats_ref, g_ref, bt_ref, x_ref, o_ref):
    mean = stats_ref[0:1, :] * (1.0 / N)
    var = stats_ref[1:2, :] * (1.0 / N) - mean * mean
    inv = lax.rsqrt(var + 1e-5)
    h = (agg_ref[...] - mean) * inv * g_ref[...] + bt_ref[...]
    h = jnp.where(h >= 0, h, 0.1 * h)
    h = h + x_ref[...]
    o_ref[...] = jnp.where(h >= 0, h, 0.1 * h)


_fin_call = pl.pallas_call(
    _fin_body,
    grid=(N // BR,),
    in_specs=[
        pl.BlockSpec((BR, D), lambda i: (i, 0)),
        pl.BlockSpec((2, D), lambda i: (0, 0)),
        pl.BlockSpec((1, D), lambda i: (0, 0)),
        pl.BlockSpec((1, D), lambda i: (0, 0)),
        pl.BlockSpec((BR, D), lambda i: (i, 0)),
    ],
    out_specs=pl.BlockSpec((BR, D), lambda i: (i, 0)),
    out_shape=jax.ShapeDtypeStruct((N, D), jnp.float32),
)


def kernel(x, W, b, bn_gamma, bn_beta, edge_index):
    ei = edge_index.astype(jnp.int32)
    pad = jnp.full((E_PAD - E,), N, jnp.int32)
    rows = jnp.concatenate([ei[0], pad])
    cols = jnp.concatenate([ei[1], pad])
    rows2d = rows.reshape(E_PAD // CHUNK, CHUNK)
    ones16 = jnp.ones((CHUNK, 16), jnp.float32)
    z16 = jnp.zeros((N_PAD, 16), jnp.float32)
    x_pad = jnp.concatenate([x, jnp.zeros((N_PAD - N, D), x.dtype)])

    deg_kernel, seg_kernel = _sc_kernels()
    deg = deg_kernel(rows2d, ones16, z16)
    y = _y_call(x_pad, W, deg)
    s = seg_kernel(rows, cols, y)
    agg, stats = _agg_call(s, y, deg, b.reshape(1, D))
    return _fin_call(agg, stats, bn_gamma.reshape(1, D),
                     bn_beta.reshape(1, D), x)

# --- scband reference (transcript-rebuilt; emitter-appended) ---
"""Pipeline reference for scband-residual-block-16810501996787 (READ-ONLY COPY).

The authoritative reference and input builder live on the scoring server;
editing this copy changes nothing except your own understanding.
"""

import jax, jax.numpy as jnp
import numpy as np

N_NODES = 10000
N_EDGES = 320000
D = 128


def leaky_relu(x, slope=0.1):
    return jnp.where(x >= 0, x, slope * x)


def setup_inputs(seed: int = 0) -> dict:
    key = jax.random.key(seed)
    k1, k2, k3, k4 = jax.random.split(key, 4)
    x = jax.random.normal(k1, (N_NODES, D), dtype=jnp.float32)
    edge_index = jax.random.randint(k2, (2, N_EDGES), 0, N_NODES, dtype=jnp.int64)
    # GCNConv lin weight (xavier-uniform-like) and bias
    limit = float(np.sqrt(6.0 / (D + D)))
    W = jax.random.uniform(k3, (D, D), minval=-limit, maxval=limit, dtype=jnp.float32)
    b = jnp.zeros((D,), dtype=jnp.float32)
    bn_gamma = jnp.ones((D,), dtype=jnp.float32)
    bn_beta = jnp.zeros((D,), dtype=jnp.float32)
    return {"x": x, "W": W, "b": b, "bn_gamma": bn_gamma, "bn_beta": bn_beta, "edge_index": edge_index}


def reference(x, W, b, bn_gamma, bn_beta, edge_index):
    N = x.shape[0]
    # shortcut is Identity since in_channels == out_channels
    residual = x
    # add self loops
    loops = jnp.arange(N, dtype=edge_index.dtype)
    ei = jnp.concatenate([edge_index, jnp.stack([loops, loops])], axis=1)
    row, col = ei[0], ei[1]
    # degree of source nodes (edge_index[0]) after self loops
    deg = jnp.zeros((N,), dtype=x.dtype).at[row].add(1.0)
    deg_inv_sqrt = jnp.where(deg > 0, deg ** -0.5, 0.0)
    norm = deg_inv_sqrt[row] * deg_inv_sqrt[col]
    # GCNConv: linear transform, normalized message passing, scatter-add at dst
    xl = x @ W.T
    msg = norm[:, None] * jnp.take(xl, row, axis=0)
    agg = jnp.zeros_like(xl).at[col].add(msg) + b
    # BatchNorm1d (training-mode batch statistics)
    mean = jnp.mean(agg, axis=0)
    var = jnp.var(agg, axis=0)
    h = (agg - mean) / jnp.sqrt(var + 1e-5) * bn_gamma + bn_beta
    h = leaky_relu(h, 0.1)
    # dropout is identity in eval / reference mode
    return leaky_relu(h + residual, 0.1)

if __name__ == "__main__":
    import jax
    _d = setup_inputs()
    print(jax.jit(kernel)(*tuple(_d.values())))

</pallas_src>

<mosaic_0001>
#map = affine_map<(d0, d1) -> (0)>
#map1 = affine_map<(d0, d1) -> (0, 0)>
#map2 = affine_map<(d0, d1) -> (0, 0, 0)>
module attributes {stable_mosaic.version = 14 : i64} {
  func.func @_seg_body(%arg0: i32, %arg1: i32, %arg2: memref<323584xi32, #tpu.memory_space<hbm>>, %arg3: memref<323584xi32, #tpu.memory_space<hbm>>, %arg4: memref<10112x128xf32, #tpu.memory_space<hbm>>, %arg5: memref<2x10112x128xf32, #tpu.memory_space<hbm>>, %arg6: memref<128xi32, #tpu.memory_space<vmem>>, %arg7: memref<128xi32, #tpu.memory_space<vmem>>, %arg8: memref<128xi32, #tpu.memory_space<vmem>>, %arg9: memref<128xi32, #tpu.memory_space<vmem>>, %arg10: memref<128x128xf32, #tpu.memory_space<vmem>>, %arg11: memref<128x128xf32, #tpu.memory_space<vmem>>, %arg12: memref<10112x128xf32, #tpu.memory_space<vmem_shared>>, %arg13: memref<!tpu.dma_semaphore, #tpu.memory_space<semaphore_mem>>, %arg14: memref<!tpu.dma_semaphore, #tpu.memory_space<semaphore_mem>>) attributes {dimension_semantics = [#tpu.dimension_semantics<core_parallel>, #tpu.dimension_semantics<subcore_parallel>], iteration_bounds = array<i64: 2, 16>, scalar_prefetch = 0 : i64, scratch_operands = 9 : i64, tpu.core_type = #tpu.core_type<sc_vector_subcore>, window_params = [{transform_indices = #map}, {transform_indices = #map}, {transform_indices = #map1}, {transform_indices = #map2}]} {
    %broadcast_in_dim3A = arith.constant 0.000000e+00 : f32
    %broadcast_in_dim3A_0 = vector.broadcast %broadcast_in_dim3A : f32 to vector<16xf32>
    %scan3A = arith.constant 0 : i32
    %scan3A_1 = arith.constant 0 : i32
    %scan3A_2 = arith.constant 128 : i32
    %scan3A_3 = arith.addi %scan3A_1, %scan3A_2 : i32
    %scan3A_4 = arith.constant 1 : i32
    scf.for %scan3A_56 = %scan3A_1 to %scan3A_3 step %scan3A_4  : i32 {
      %swap3A = arith.index_cast %scan3A_56 : i32 to index
      %swap3A_57 = arith.constant 0 : index
      %swap3A_58 = tpu.vector_load %arg10[%swap3A, %swap3A_57] {strides = array<i32>} : memref<128x128xf32, #tpu.memory_space<vmem>>, vector<1x16xf32>,
      %swap3A_59 = vector.shape_cast %swap3A_58 : vector<1x16xf32> to vector<16xf32>
      %swap3A_60 = vector.shape_cast %broadcast_in_dim3A_0 : vector<16xf32> to vector<1x16xf32>
      tpu.vector_store %arg10[%swap3A, %swap3A_57], %swap3A_60 {strides = array<i32>} : memref<128x128xf32, #tpu.memory_space<vmem>>, vector<1x16xf32>,
      %swap3A_61 = arith.index_cast %scan3A_56 : i32 to index
      %swap3A_62 = arith.constant 16 : index
      %swap3A_63 = tpu.vector_load %arg10[%swap3A_61, %swap3A_62] {strides = array<i32>} : memref<128x128xf32, #tpu.memory_space<vmem>>, vector<1x16xf32>,
      %swap3A_64 = vector.shape_cast %swap3A_63 : vector<1x16xf32> to vector<16xf32>
      %swap3A_65 = vector.shape_cast %broadcast_in_dim3A_0 : vector<16xf32> to vector<1x16xf32>
      tpu.vector_store %arg10[%swap3A_61, %swap3A_62], %swap3A_65 {strides = array<i32>} : memref<128x128xf32, #tpu.memory_space<vmem>>, vector<1x16xf32>,
      %swap3A_66 = arith.index_cast %scan3A_56 : i32 to index
      %swap3A_67 = arith.constant 32 : index
      %swap3A_68 = tpu.vector_load %arg10[%swap3A_66, %swap3A_67] {strides = array<i32>} : memref<128x128xf32, #tpu.memory_space<vmem>>, vector<1x16xf32>,
      %swap3A_69 = vector.shape_cast %swap3A_68 : vector<1x16xf32> to vector<16xf32>
      %swap3A_70 = vector.shape_cast %broadcast_in_dim3A_0 : vector<16xf32> to vector<1x16xf32>
      tpu.vector_store %arg10[%swap3A_66, %swap3A_67], %swap3A_70 {strides = array<i32>} : memref<128x128xf32, #tpu.memory_space<vmem>>, vector<1x16xf32>,
      %swap3A_71 = arith.index_cast %scan3A_56 : i32 to index
      %swap3A_72 = arith.constant 48 : index
      %swap3A_73 = tpu.vector_load %arg10[%swap3A_71, %swap3A_72] {strides = array<i32>} : memref<128x128xf32, #tpu.memory_space<vmem>>, vector<1x16xf32>,
      %swap3A_74 = vector.shape_cast %swap3A_73 : vector<1x16xf32> to vector<16xf32>
      %swap3A_75 = vector.shape_cast %broadcast_in_dim3A_0 : vector<16xf32> to vector<1x16xf32>
      tpu.vector_store %arg10[%swap3A_71, %swap3A_72], %swap3A_75 {strides = array<i32>} : memref<128x128xf32, #tpu.memory_space<vmem>>, vector<1x16xf32>,
      %swap3A_76 = arith.index_cast %scan3A_56 : i32 to index
      %swap3A_77 = arith.constant 64 : index
      %swap3A_78 = tpu.vector_load %arg10[%swap3A_76, %swap3A_77] {strides = array<i32>} : memref<128x128xf32, #tpu.memory_space<vmem>>, vector<1x16xf32>,
      %swap3A_79 = vector.shape_cast %swap3A_78 : vector<1x16xf32> to vector<16xf32>
      %swap3A_80 = vector.shape_cast %broadcast_in_dim3A_0 : vector<16xf32> to vector<1x16xf32>
      tpu.vector_store %arg10[%swap3A_76, %swap3A_77], %swap3A_80 {strides = array<i32>} : memref<128x128xf32, #tpu.memory_space<vmem>>, vector<1x16xf32>,
      %swap3A_81 = arith.index_cast %scan3A_56 : i32 to index
      %swap3A_82 = arith.constant 80 : index
      %swap3A_83 = tpu.vector_load %arg10[%swap3A_81, %swap3A_82] {strides = array<i32>} : memref<128x128xf32, #tpu.memory_space<vmem>>, vector<1x16xf32>,
      %swap3A_84 = vector.shape_cast %swap3A_83 : vector<1x16xf32> to vector<16xf32>
      %swap3A_85 = vector.shape_cast %broadcast_in_dim3A_0 : vector<16xf32> to vector<1x16xf32>
      tpu.vector_store %arg10[%swap3A_81, %swap3A_82], %swap3A_85 {strides = array<i32>} : memref<128x128xf32, #tpu.memory_space<vmem>>, vector<1x16xf32>,
      %swap3A_86 = arith.index_cast %scan3A_56 : i32 to index
      %swap3A_87 = arith.constant 96 : index
      %swap3A_88 = tpu.vector_load %arg10[%swap3A_86, %swap3A_87] {strides = array<i32>} : memref<128x128xf32, #tpu.memory_space<vmem>>, vector<1x16xf32>,
      %swap3A_89 = vector.shape_cast %swap3A_88 : vector<1x16xf32> to vector<16xf32>
      %swap3A_90 = vector.shape_cast %broadcast_in_dim3A_0 : vector<16xf32> to vector<1x16xf32>
      tpu.vector_store %arg10[%swap3A_86, %swap3A_87], %swap3A_90 {strides = array<i32>} : memref<128x128xf32, #tpu.memory_space<vmem>>, vector<1x16xf32>,
      %swap3A_91 = arith.index_cast %scan3A_56 : i32 to index
      %swap3A_92 = arith.constant 112 : index
      %swap3A_93 = tpu.vector_load %arg10[%swap3A_91, %swap3A_92] {strides = array<i32>} : memref<128x128xf32, #tpu.memory_space<vmem>>, vector<1x16xf32>,
      %swap3A_94 = vector.shape_cast %swap3A_93 : vector<1x16xf32> to vector<16xf32>
      %swap3A_95 = vector.shape_cast %broadcast_in_dim3A_0 : vector<16xf32> to vector<1x16xf32>
      tpu.vector_store %arg10[%swap3A_91, %swap3A_92], %swap3A_95 {strides = array<i32>} : memref<128x128xf32, #tpu.memory_space<vmem>>, vector<1x16xf32>,
    }
    %scan3A_5 = arith.constant 128 : i32
    %mul3A = arith.constant 632 : i32
    %mul3A_6 = arith.muli %arg1, %mul3A : i32
    %add3A = arith.constant 0 : i32
    %add3A_7 = arith.addi %mul3A_6, %add3A : i32
    "tpu.region"() ({
      %run_scoped3A = tpu.sem_alloc : memref<!tpu.dma_semaphore, #tpu.memory_space<semaphore_mem>>
      %dma_start3A_56 = arith.constant 0 : i32
      %dma_start3A_57 = tpu.memref_slice %arg12[%add3A_7, %dma_start3A_56] : memref<10112x128xf32, #tpu.memory_space<vmem_shared>> -> memref<128x128xf32, #tpu.memory_space<vmem_shared>>
      %dma_start3A_58 = arith.constant 0 : i32
      %dma_start3A_59 = tpu.memref_slice %arg12[%add3A_7, %dma_start3A_58] : memref<10112x128xf32, #tpu.memory_space<vmem_shared>> -> memref<128x128xf32, #tpu.memory_space<vmem_shared>>
      tpu.enqueue_dma source(%arg10 : memref<128x128xf32, #tpu.memory_space<vmem>>) target(%dma_start3A_59 : memref<128x128xf32, #tpu.memory_space<vmem_shared>>) target_semaphore(%run_scoped3A : memref<!tpu.dma_semaphore, #tpu.memory_space<semaphore_mem>>)
      %dma_wait3A = arith.constant 0 : i32
      %dma_wait3A_60 = tpu.memref_slice %arg12[%add3A_7, %dma_wait3A] : memref<10112x128xf32, #tpu.memory_space<vmem_shared>> -> memref<128x128xf32, #tpu.memory_space<vmem_shared>>
      %dma_wait3A_61 = arith.constant 0 : i32
      %dma_wait3A_62 = tpu.memref_slice %arg12[%add3A_7, %dma_wait3A_61] : memref<10112x128xf32, #tpu.memory_space<vmem_shared>> -> memref<128x128xf32, #tpu.memory_space<vmem_shared>>
      tpu.wait_dma2 semaphore(%run_scoped3A : memref<!tpu.dma_semaphore, #tpu.memory_space<semaphore_mem>>) src(%arg10 : memref<128x128xf32, #tpu.memory_space<vmem>>) dst(%dma_wait3A_62 : memref<128x128xf32, #tpu.memory_space<vmem_shared>>)
      tpu.yield
    }) : () -> ()
    %mul3A_8 = arith.constant 632 : i32
    %mul3A_9 = arith.muli %arg1, %mul3A_8 : i32
    %add3A_10 = arith.constant 128 : i32
    %add3A_11 = arith.addi %mul3A_9, %add3A_10 : i32
    "tpu.region"() ({
      %run_scoped3A = tpu.sem_alloc : memref<!tpu.dma_semaphore, #tpu.memory_space<semaphore_mem>>
      %dma_start3A_56 = arith.constant 0 : i32
      %dma_start3A_57 = tpu.memref_slice %arg12[%add3A_11, %dma_start3A_56] : memref<10112x128xf32, #tpu.memory_space<vmem_shared>> -> memref<128x128xf32, #tpu.memory_space<vmem_shared>>
      %dma_start3A_58 = arith.constant 0 : i32
      %dma_start3A_59 = tpu.memref_slice %arg12[%add3A_11, %dma_start3A_58] : memref<10112x128xf32, #tpu.memory_space<vmem_shared>> -> memref<128x128xf32, #tpu.memory_space<vmem_shared>>
      tpu.enqueue_dma source(%arg10 : memref<128x128xf32, #tpu.memory_space<vmem>>) target(%dma_start3A_59 : memref<128x128xf32, #tpu.memory_space<vmem_shared>>) target_semaphore(%run_scoped3A : memref<!tpu.dma_semaphore, #tpu.memory_space<semaphore_mem>>)
      %dma_wait3A = arith.constant 0 : i32
      %dma_wait3A_60 = tpu.memref_slice %arg12[%add3A_11, %dma_wait3A] : memref<10112x128xf32, #tpu.memory_space<vmem_shared>> -> memref<128x128xf32, #tpu.memory_space<vmem_shared>>
      %dma_wait3A_61 = arith.constant 0 : i32
      %dma_wait3A_62 = tpu.memref_slice %arg12[%add3A_11, %dma_wait3A_61] : memref<10112x128xf32, #tpu.memory_space<vmem_shared>> -> memref<128x128xf32, #tpu.memory_space<vmem_shared>>
      tpu.wait_dma2 semaphore(%run_scoped3A : memref<!tpu.dma_semaphore, #tpu.memory_space<semaphore_mem>>) src(%arg10 : memref<128x128xf32, #tpu.memory_space<vmem>>) dst(%dma_wait3A_62 : memref<128x128xf32, #tpu.memory_space<vmem_shared>>)
      tpu.yield
    }) : () -> ()
    %mul3A_12 = arith.constant 632 : i32
    %mul3A_13 = arith.muli %arg1, %mul3A_12 : i32
    %add3A_14 = arith.constant 256 : i32
    %add3A_15 = arith.addi %mul3A_13, %add3A_14 : i32
    "tpu.region"() ({
      %run_scoped3A = tpu.sem_alloc : memref<!tpu.dma_semaphore, #tpu.memory_space<semaphore_mem>>
      %dma_start3A_56 = arith.constant 0 : i32
      %dma_start3A_57 = tpu.memref_slice %arg12[%add3A_15, %dma_start3A_56] : memref<10112x128xf32, #tpu.memory_space<vmem_shared>> -> memref<128x128xf32, #tpu.memory_space<vmem_shared>>
      %dma_start3A_58 = arith.constant 0 : i32
      %dma_start3A_59 = tpu.memref_slice %arg12[%add3A_15, %dma_start3A_58] : memref<10112x128xf32, #tpu.memory_space<vmem_shared>> -> memref<128x128xf32, #tpu.memory_space<vmem_shared>>
      tpu.enqueue_dma source(%arg10 : memref<128x128xf32, #tpu.memory_space<vmem>>) target(%dma_start3A_59 : memref<128x128xf32, #tpu.memory_space<vmem_shared>>) target_semaphore(%run_scoped3A : memref<!tpu.dma_semaphore, #tpu.memory_space<semaphore_mem>>)
      %dma_wait3A = arith.constant 0 : i32
      %dma_wait3A_60 = tpu.memref_slice %arg12[%add3A_15, %dma_wait3A] : memref<10112x128xf32, #tpu.memory_space<vmem_shared>> -> memref<128x128xf32, #tpu.memory_space<vmem_shared>>
      %dma_wait3A_61 = arith.constant 0 : i32
      %dma_wait3A_62 = tpu.memref_slice %arg12[%add3A_15, %dma_wait3A_61] : memref<10112x128xf32, #tpu.memory_space<vmem_shared>> -> memref<128x128xf32, #tpu.memory_space<vmem_shared>>
      tpu.wait_dma2 semaphore(%run_scoped3A : memref<!tpu.dma_semaphore, #tpu.memory_space<semaphore_mem>>) src(%arg10 : memref<128x128xf32, #tpu.memory_space<vmem>>) dst(%dma_wait3A_62 : memref<128x128xf32, #tpu.memory_space<vmem_shared>>)
      tpu.yield
    }) : () -> ()
    %mul3A_16 = arith.constant 632 : i32
    %mul3A_17 = arith.muli %arg1, %mul3A_16 : i32
    %add3A_18 = arith.constant 384 : i32
    %add3A_19 = arith.addi %mul3A_17, %add3A_18 : i32
    "tpu.region"() ({
      %run_scoped3A = tpu.sem_alloc : memref<!tpu.dma_semaphore, #tpu.memory_space<semaphore_mem>>
      %dma_start3A_56 = arith.constant 0 : i32
      %dma_start3A_57 = tpu.memref_slice %arg12[%add3A_19, %dma_start3A_56] : memref<10112x128xf32, #tpu.memory_space<vmem_shared>> -> memref<128x128xf32, #tpu.memory_space<vmem_shared>>
      %dma_start3A_58 = arith.constant 0 : i32
      %dma_start3A_59 = tpu.memref_slice %arg12[%add3A_19, %dma_start3A_58] : memref<10112x128xf32, #tpu.memory_space<vmem_shared>> -> memref<128x128xf32, #tpu.memory_space<vmem_shared>>
      tpu.enqueue_dma source(%arg10 : memref<128x128xf32, #tpu.memory_space<vmem>>) target(%dma_start3A_59 : memref<128x128xf32, #tpu.memory_space<vmem_shared>>) target_semaphore(%run_scoped3A : memref<!tpu.dma_semaphore, #tpu.memory_space<semaphore_mem>>)
      %dma_wait3A = arith.constant 0 : i32
      %dma_wait3A_60 = tpu.memref_slice %arg12[%add3A_19, %dma_wait3A] : memref<10112x128xf32, #tpu.memory_space<vmem_shared>> -> memref<128x128xf32, #tpu.memory_space<vmem_shared>>
      %dma_wait3A_61 = arith.constant 0 : i32
      %dma_wait3A_62 = tpu.memref_slice %arg12[%add3A_19, %dma_wait3A_61] : memref<10112x128xf32, #tpu.memory_space<vmem_shared>> -> memref<128x128xf32, #tpu.memory_space<vmem_shared>>
      tpu.wait_dma2 semaphore(%run_scoped3A : memref<!tpu.dma_semaphore, #tpu.memory_space<semaphore_mem>>) src(%arg10 : memref<128x128xf32, #tpu.memory_space<vmem>>) dst(%dma_wait3A_62 : memref<128x128xf32, #tpu.memory_space<vmem_shared>>)
      tpu.yield
    }) : () -> ()
    %mul3A_20 = arith.constant 632 : i32
    %mul3A_21 = arith.muli %arg1, %mul3A_20 : i32
    %add3A_22 = arith.constant 632 : i32
    %add3A_23 = arith.addi %mul3A_21, %add3A_22 : i32
    %sub3A = arith.constant 120 : i32
    %sub3A_24 = arith.subi %add3A_23, %sub3A : i32
    "tpu.region"() ({
      %run_scoped3A = tpu.sem_alloc : memref<!tpu.dma_semaphore, #tpu.memory_space<semaphore_mem>>
      %dma_start3A_56 = arith.constant 0 : i32
      %dma_start3A_57 = arith.constant 0 : i32
      %dma_start3A_58 = tpu.memref_slice %arg10[%dma_start3A_56, %dma_start3A_57] : memref<128x128xf32, #tpu.memory_space<vmem>> -> memref<120x128xf32, #tpu.memory_space<vmem>>
      %dma_start3A_59 = arith.constant 0 : i32
      %dma_start3A_60 = tpu.memref_slice %arg12[%sub3A_24, %dma_start3A_59] : memref<10112x128xf32, #tpu.memory_space<vmem_shared>> -> memref<120x128xf32, #tpu.memory_space<vmem_shared>>
      %dma_start3A_61 = arith.constant 0 : i32
      %dma_start3A_62 = tpu.memref_slice %arg12[%sub3A_24, %dma_start3A_61] : memref<10112x128xf32, #tpu.memory_space<vmem_shared>> -> memref<120x128xf32, #tpu.memory_space<vmem_shared>>
      %dma_start3A_63 = arith.constant 0 : i32
      %dma_start3A_64 = arith.constant 0 : i32
      %dma_start3A_65 = tpu.memref_slice %arg10[%dma_start3A_63, %dma_start3A_64] : memref<128x128xf32, #tpu.memory_space<vmem>> -> memref<120x128xf32, #tpu.memory_space<vmem>>
      tpu.enqueue_dma source(%dma_start3A_65 : memref<120x128xf32, #tpu.memory_space<vmem>>) target(%dma_start3A_62 : memref<120x128xf32, #tpu.memory_space<vmem_shared>>) target_semaphore(%run_scoped3A : memref<!tpu.dma_semaphore, #tpu.memory_space<semaphore_mem>>)
      %dma_wait3A = arith.constant 0 : i32
      %dma_wait3A_66 = arith.constant 0 : i32
      %dma_wait3A_67 = tpu.memref_slice %arg10[%dma_wait3A, %dma_wait3A_66] : memref<128x128xf32, #tpu.memory_space<vmem>> -> memref<120x128xf32, #tpu.memory_space<vmem>>
      %dma_wait3A_68 = arith.constant 0 : i32
      %dma_wait3A_69 = tpu.memref_slice %arg12[%sub3A_24, %dma_wait3A_68] : memref<10112x128xf32, #tpu.memory_space<vmem_shared>> -> memref<120x128xf32, #tpu.memory_space<vmem_shared>>
      %dma_wait3A_70 = arith.constant 0 : i32
      %dma_wait3A_71 = tpu.memref_slice %arg12[%sub3A_24, %dma_wait3A_70] : memref<10112x128xf32, #tpu.memory_space<vmem_shared>> -> memref<120x128xf32, #tpu.memory_space<vmem_shared>>
      %dma_wait3A_72 = arith.constant 0 : i32
      %dma_wait3A_73 = arith.constant 0 : i32
      %dma_wait3A_74 = tpu.memref_slice %arg10[%dma_wait3A_72, %dma_wait3A_73] : memref<128x128xf32, #tpu.memory_space<vmem>> -> memref<120x128xf32, #tpu.memory_space<vmem>>
      tpu.wait_dma2 semaphore(%run_scoped3A : memref<!tpu.dma_semaphore, #tpu.memory_space<semaphore_mem>>) src(%dma_wait3A_74 : memref<120x128xf32, #tpu.memory_space<vmem>>) dst(%dma_wait3A_71 : memref<120x128xf32, #tpu.memory_space<vmem_shared>>)
      tpu.yield
    }) : () -> ()
    %barrier3A = arith.constant 0 : index
    tpu.barrier barrier_id(%barrier3A)
    %eq3A = arith.constant 0 : i32
    %eq3A_25 = arith.cmpi eq, %arg0, %eq3A : i32
    %mul3A_26 = arith.constant 118 : i32
    %mul3A_27 = arith.muli %arg1, %mul3A_26 : i32
    %mul3A_28 = arith.constant 40 : i32
    %mul3A_29 = arith.muli %arg1, %mul3A_28 : i32
    %add3A_30 = arith.constant 1888 : i32
    %add3A_31 = arith.addi %add3A_30, %mul3A_29 : i32
    %select_n3A = arith.select %eq3A_25, %mul3A_27, %add3A_31 : i32
    %eq3A_32 = arith.constant 0 : i32
    %eq3A_33 = arith.cmpi eq, %arg0, %eq3A_32 : i32
    %jit3A = arith.constant 59 : i32
    %jit3A_34 = arith.constant 20 : i32
    %select_n3A_35 = arith.select %eq3A_33, %jit3A, %jit3A_34 : i32
    %add3A_36 = arith.constant 0 : i32
    %add3A_37 = arith.addi %select_n3A, %add3A_36 : i32
    %mul3A_38 = arith.constant 128 : i32
    %mul3A_39 = arith.muli %add3A_37, %mul3A_38 : i32
    "tpu.region"() ({
      %run_scoped3A = tpu.sem_alloc : memref<!tpu.dma_semaphore, #tpu.memory_space<semaphore_mem>>
      %dma_start3A_56 = tpu.memref_slice %arg2[%mul3A_39] : memref<323584xi32, #tpu.memory_space<hbm>> -> memref<128xi32, #tpu.memory_space<hbm>>
      %dma_start3A_57 = tpu.memref_slice %arg2[%mul3A_39] : memref<323584xi32, #tpu.memory_space<hbm>> -> memref<128xi32, #tpu.memory_space<hbm>>
      tpu.enqueue_dma source(%dma_start3A_57 : memref<128xi32, #tpu.memory_space<hbm>>) target(%arg6 : memref<128xi32, #tpu.memory_space<vmem>>) target_semaphore(%run_scoped3A : memref<!tpu.dma_semaphore, #tpu.memory_space<semaphore_mem>>)
      %dma_wait3A = tpu.memref_slice %arg2[%mul3A_39] : memref<323584xi32, #tpu.memory_space<hbm>> -> memref<128xi32, #tpu.memory_space<hbm>>
      %dma_wait3A_58 = tpu.memref_slice %arg2[%mul3A_39] : memref<323584xi32, #tpu.memory_space<hbm>> -> memref<128xi32, #tpu.memory_space<hbm>>
      tpu.wait_dma2 semaphore(%run_scoped3A : memref<!tpu.dma_semaphore, #tpu.memory_space<semaphore_mem>>) src(%dma_wait3A_58 : memref<128xi32, #tpu.memory_space<hbm>>) dst(%arg6 : memref<128xi32, #tpu.memory_space<vmem>>)
      tpu.yield
    }) : () -> ()
    "tpu.region"() ({
      %run_scoped3A = tpu.sem_alloc : memref<!tpu.dma_semaphore, #tpu.memory_space<semaphore_mem>>
      %dma_start3A_56 = tpu.memref_slice %arg3[%mul3A_39] : memref<323584xi32, #tpu.memory_space<hbm>> -> memref<128xi32, #tpu.memory_space<hbm>>
      %dma_start3A_57 = tpu.memref_slice %arg3[%mul3A_39] : memref<323584xi32, #tpu.memory_space<hbm>> -> memref<128xi32, #tpu.memory_space<hbm>>
      tpu.enqueue_dma source(%dma_start3A_57 : memref<128xi32, #tpu.memory_space<hbm>>) target(%arg7 : memref<128xi32, #tpu.memory_space<vmem>>) target_semaphore(%run_scoped3A : memref<!tpu.dma_semaphore, #tpu.memory_space<semaphore_mem>>)
      %dma_wait3A = tpu.memref_slice %arg3[%mul3A_39] : memref<323584xi32, #tpu.memory_space<hbm>> -> memref<128xi32, #tpu.memory_space<hbm>>
      %dma_wait3A_58 = tpu.memref_slice %arg3[%mul3A_39] : memref<323584xi32, #tpu.memory_space<hbm>> -> memref<128xi32, #tpu.memory_space<hbm>>
      tpu.wait_dma2 semaphore(%run_scoped3A : memref<!tpu.dma_semaphore, #tpu.memory_space<semaphore_mem>>) src(%dma_wait3A_58 : memref<128xi32, #tpu.memory_space<hbm>>) dst(%arg7 : memref<128xi32, #tpu.memory_space<vmem>>)
      tpu.yield
    }) : () -> ()
    %dma_start3A = arith.constant 0 : i32
    %dma_start3A_40 = arith.constant 0 : i32
    %dma_start3A_41 = tpu.memref_slice %arg4[%dma_start3A, %dma_start3A_40] : memref<10112x128xf32, #tpu.memory_space<hbm>> -> memref<10112x128xf32, #tpu.memory_space<hbm>>
    tpu.enqueue_indirect_dma source(%dma_start3A_41 : memref<10112x128xf32, #tpu.memory_space<hbm>>) target(%arg10 : memref<128x128xf32, #tpu.memory_space<vmem>>) offsets(%arg6 : memref<128xi32, #tpu.memory_space<vmem>>) semaphore(%arg13 : memref<!tpu.dma_semaphore, #tpu.memory_space<semaphore_mem>>)
    %while3A = arith.constant 0 : i32
    %while3A_42 = arith.constant 0 : i32
    %while3A_43 = arith.subi %select_n3A_35, %while3A_42 : i32
    %while3A_44 = arith.addi %while3A_42, %while3A_43 : i32
    %while3A_45 = arith.constant 1 : i32
    %while3A_46 = arith.divsi %while3A_43, %while3A_45 : i32
    %while3A_47 = arith.muli %while3A_46, %while3A_45 : i32
    %while3A_48 = arith.addi %while3A_42, %while3A_47 : i32
    %while3A_49 = arith.constant 1 : i32
    scf.for %while3A_56 = %while3A_42 to %while3A_48 step %while3A_49  : i32 {
      %mul3A_57 = arith.constant 2 : i32
      %mul3A_58 = arith.muli %mul3A_57, %while3A_56 : i32
      %add3A_59 = arith.constant 1 : i32
      %add3A_60 = arith.addi %mul3A_58, %add3A_59 : i32
      %add3A_61 = arith.addi %select_n3A, %add3A_60 : i32
      %mul3A_62 = arith.constant 128 : i32
      %mul3A_63 = arith.muli %add3A_61, %mul3A_62 : i32
      "tpu.region"() ({
        %run_scoped3A = tpu.sem_alloc : memref<!tpu.dma_semaphore, #tpu.memory_space<semaphore_mem>>
        %dma_start3A_75 = tpu.memref_slice %arg2[%mul3A_63] : memref<323584xi32, #tpu.memory_space<hbm>> -> memref<128xi32, #tpu.memory_space<hbm>>
        %dma_start3A_76 = tpu.memref_slice %arg2[%mul3A_63] : memref<323584xi32, #tpu.memory_space<hbm>> -> memref<128xi32, #tpu.memory_space<hbm>>
        tpu.enqueue_dma source(%dma_start3A_76 : memref<128xi32, #tpu.memory_space<hbm>>) target(%arg8 : memref<128xi32, #tpu.memory_space<vmem>>) target_semaphore(%run_scoped3A : memref<!tpu.dma_semaphore, #tpu.memory_space<semaphore_mem>>)
        %dma_wait3A_77 = tpu.memref_slice %arg2[%mul3A_63] : memref<323584xi32, #tpu.memory_space<hbm>> -> memref<128xi32, #tpu.memory_space<hbm>>
        %dma_wait3A_78 = tpu.memref_slice %arg2[%mul3A_63] : memref<323584xi32, #tpu.memory_space<hbm>> -> memref<128xi32, #tpu.memory_space<hbm>>
        tpu.wait_dma2 semaphore(%run_scoped3A : memref<!tpu.dma_semaphore, #tpu.memory_space<semaphore_mem>>) src(%dma_wait3A_78 : memref<128xi32, #tpu.memory_space<hbm>>) dst(%arg8 : memref<128xi32, #tpu.memory_space<vmem>>)
        tpu.yield
      }) : () -> ()
      "tpu.region"() ({
        %run_scoped3A = tpu.sem_alloc : memref<!tpu.dma_semaphore, #tpu.memory_space<semaphore_mem>>
        %dma_start3A_75 = tpu.memref_slice %arg3[%mul3A_63] : memref<323584xi32, #tpu.memory_space<hbm>> -> memref<128xi32, #tpu.memory_space<hbm>>
        %dma_start3A_76 = tpu.memref_slice %arg3[%mul3A_63] : memref<323584xi32, #tpu.memory_space<hbm>> -> memref<128xi32, #tpu.memory_space<hbm>>
        tpu.enqueue_dma source(%dma_start3A_76 : memref<128xi32, #tpu.memory_space<hbm>>) target(%arg9 : memref<128xi32, #tpu.memory_space<vmem>>) target_semaphore(%run_scoped3A : memref<!tpu.dma_semaphore, #tpu.memory_space<semaphore_mem>>)
        %dma_wait3A_77 = tpu.memref_slice %arg3[%mul3A_63] : memref<323584xi32, #tpu.memory_space<hbm>> -> memref<128xi32, #tpu.memory_space<hbm>>
        %dma_wait3A_78 = tpu.memref_slice %arg3[%mul3A_63] : memref<323584xi32, #tpu.memory_space<hbm>> -> memref<128xi32, #tpu.memory_space<hbm>>
        tpu.wait_dma2 semaphore(%run_scoped3A : memref<!tpu.dma_semaphore, #tpu.memory_space<semaphore_mem>>) src(%dma_wait3A_78 : memref<128xi32, #tpu.memory_space<hbm>>) dst(%arg9 : memref<128xi32, #tpu.memory_space<vmem>>)
        tpu.yield
      }) : () -> ()
      %dma_start3A_64 = arith.constant 0 : i32
      %dma_start3A_65 = arith.constant 0 : i32
      %dma_start3A_66 = tpu.memref_slice %arg4[%dma_start3A_64, %dma_start3A_65] : memref<10112x128xf32, #tpu.memory_space<hbm>> -> memref<10112x128xf32, #tpu.memory_space<hbm>>
      tpu.enqueue_indirect_dma source(%dma_start3A_66 : memref<10112x128xf32, #tpu.memory_space<hbm>>) target(%arg11 : memref<128x128xf32, #tpu.memory_space<vmem>>) offsets(%arg8 : memref<128xi32, #tpu.memory_space<vmem>>) semaphore(%arg14 : memref<!tpu.dma_semaphore, #tpu.memory_space<semaphore_mem>>)
      %dma_wait3A = arith.constant 0 : i32
      %dma_wait3A_67 = arith.constant 0 : i32
      %dma_wait3A_68 = tpu.memref_slice %arg4[%dma_wait3A, %dma_wait3A_67] : memref<10112x128xf32, #tpu.memory_space<hbm>> -> memref<10112x128xf32, #tpu.memory_space<hbm>>
      tpu.wait_indirect_dma semaphore(%arg13 : memref<!tpu.dma_semaphore, #tpu.memory_space<semaphore_mem>>) src(%dma_wait3A_68 : memref<10112x128xf32, #tpu.memory_space<hbm>>) dst(%arg10 : memref<128x128xf32, #tpu.memory_space<vmem>>)
      "tpu.region"() ({
        %run_scoped3A = tpu.sem_alloc : memref<!tpu.dma_semaphore, #tpu.memory_space<semaphore_mem>>
        %dma_start3A_75 = arith.constant 0 : i32
        %dma_start3A_76 = arith.constant 0 : i32
        %dma_start3A_77 = tpu.memref_slice %arg12[%dma_start3A_75, %dma_start3A_76] : memref<10112x128xf32, #tpu.memory_space<vmem_shared>> -> memref<10112x128xf32, #tpu.memory_space<vmem_shared>>
        tpu.enqueue_indirect_dma source(%arg10 : memref<128x128xf32, #tpu.memory_space<vmem>>) target(%dma_start3A_77 : memref<10112x128xf32, #tpu.memory_space<vmem_shared>>) offsets(%arg7 : memref<128xi32, #tpu.memory_space<vmem>>) semaphore(%run_scoped3A : memref<!tpu.dma_semaphore, #tpu.memory_space<semaphore_mem>>) {add = true}
        %dma_wait3A_78 = arith.constant 0 : i32
        %dma_wait3A_79 = arith.constant 0 : i32
        %dma_wait3A_80 = tpu.memref_slice %arg12[%dma_wait3A_78, %dma_wait3A_79] : memref<10112x128xf32, #tpu.memory_space<vmem_shared>> -> memref<10112x128xf32, #tpu.memory_space<vmem_shared>>
        tpu.wait_indirect_dma semaphore(%run_scoped3A : memref<!tpu.dma_semaphore, #tpu.memory_space<semaphore_mem>>) src(%arg10 : memref<128x128xf32, #tpu.memory_space<vmem>>) dst(%dma_wait3A_80 : memref<10112x128xf32, #tpu.memory_space<vmem_shared>>)
        tpu.yield
      }) : () -> ()
      %sub3A_69 = arith.constant 1 : i32
      %sub3A_70 = arith.subi %select_n3A_35, %sub3A_69 : i32
      %lt3A = arith.cmpi slt, %while3A_56, %sub3A_70 : i32
      %convert_element_type3A = arith.extui %lt3A : i1 to i32
      %cond3A = arith.constant 0 : i32
      %cond3A_71 = arith.cmpi ne, %convert_element_type3A, %cond3A : i32
      scf.if %cond3A_71 {
        %add3A_75 = arith.constant 2 : i32
        %add3A_76 = arith.addi %mul3A_58, %add3A_75 : i32
        %add3A_77 = arith.addi %select_n3A, %add3A_76 : i32
        %mul3A_78 = arith.constant 128 : i32
        %mul3A_79 = arith.muli %add3A_77, %mul3A_78 : i32
        "tpu.region"() ({
          %run_scoped3A = tpu.sem_alloc : memref<!tpu.dma_semaphore, #tpu.memory_space<semaphore_mem>>
          %dma_start3A_83 = tpu.memref_slice %arg2[%mul3A_79] : memref<323584xi32, #tpu.memory_space<hbm>> -> memref<128xi32, #tpu.memory_space<hbm>>
          %dma_start3A_84 = tpu.memref_slice %arg2[%mul3A_79] : memref<323584xi32, #tpu.memory_space<hbm>> -> memref<128xi32, #tpu.memory_space<hbm>>
          tpu.enqueue_dma source(%dma_start3A_84 : memref<128xi32, #tpu.memory_space<hbm>>) target(%arg6 : memref<128xi32, #tpu.memory_space<vmem>>) target_semaphore(%run_scoped3A : memref<!tpu.dma_semaphore, #tpu.memory_space<semaphore_mem>>)
          %dma_wait3A_85 = tpu.memref_slice %arg2[%mul3A_79] : memref<323584xi32, #tpu.memory_space<hbm>> -> memref<128xi32, #tpu.memory_space<hbm>>
          %dma_wait3A_86 = tpu.memref_slice %arg2[%mul3A_79] : memref<323584xi32, #tpu.memory_space<hbm>> -> memref<128xi32, #tpu.memory_space<hbm>>
          tpu.wait_dma2 semaphore(%run_scoped3A : memref<!tpu.dma_semaphore, #tpu.memory_space<semaphore_mem>>) src(%dma_wait3A_86 : memref<128xi32, #tpu.memory_space<hbm>>) dst(%arg6 : memref<128xi32, #tpu.memory_space<vmem>>)
          tpu.yield
        }) : () -> ()
        "tpu.region"() ({
          %run_scoped3A = tpu.sem_alloc : memref<!tpu.dma_semaphore, #tpu.memory_space<semaphore_mem>>
          %dma_start3A_83 = tpu.memref_slice %arg3[%mul3A_79] : memref<323584xi32, #tpu.memory_space<hbm>> -> memref<128xi32, #tpu.memory_space<hbm>>
          %dma_start3A_84 = tpu.memref_slice %arg3[%mul3A_79] : memref<323584xi32, #tpu.memory_space<hbm>> -> memref<128xi32, #tpu.memory_space<hbm>>
          tpu.enqueue_dma source(%dma_start3A_84 : memref<128xi32, #tpu.memory_space<hbm>>) target(%arg7 : memref<128xi32, #tpu.memory_space<vmem>>) target_semaphore(%run_scoped3A : memref<!tpu.dma_semaphore, #tpu.memory_space<semaphore_mem>>)
          %dma_wait3A_85 = tpu.memref_slice %arg3[%mul3A_79] : memref<323584xi32, #tpu.memory_space<hbm>> -> memref<128xi32, #tpu.memory_space<hbm>>
          %dma_wait3A_86 = tpu.memref_slice %arg3[%mul3A_79] : memref<323584xi32, #tpu.memory_space<hbm>> -> memref<128xi32, #tpu.memory_space<hbm>>
          tpu.wait_dma2 semaphore(%run_scoped3A : memref<!tpu.dma_semaphore, #tpu.memory_space<semaphore_mem>>) src(%dma_wait3A_86 : memref<128xi32, #tpu.memory_space<hbm>>) dst(%arg7 : memref<128xi32, #tpu.memory_space<vmem>>)
          tpu.yield
        }) : () -> ()
        %dma_start3A_80 = arith.constant 0 : i32
        %dma_start3A_81 = arith.constant 0 : i32
        %dma_start3A_82 = tpu.memref_slice %arg4[%dma_start3A_80, %dma_start3A_81] : memref<10112x128xf32, #tpu.memory_space<hbm>> -> memref<10112x128xf32, #tpu.memory_space<hbm>>
        tpu.enqueue_indirect_dma source(%dma_start3A_82 : memref<10112x128xf32, #tpu.memory_space<hbm>>) target(%arg10 : memref<128x128xf32, #tpu.memory_space<vmem>>) offsets(%arg6 : memref<128xi32, #tpu.memory_space<vmem>>) semaphore(%arg13 : memref<!tpu.dma_semaphore, #tpu.memory_space<semaphore_mem>>)
      } else {
      }
      %dma_wait3A_72 = arith.constant 0 : i32
      %dma_wait3A_73 = arith.constant 0 : i32
      %dma_wait3A_74 = tpu.memref_slice %arg4[%dma_wait3A_72, %dma_wait3A_73] : memref<10112x128xf32, #tpu.memory_space<hbm>> -> memref<10112x128xf32, #tpu.memory_space<hbm>>
      tpu.wait_indirect_dma semaphore(%arg14 : memref<!tpu.dma_semaphore, #tpu.memory_space<semaphore_mem>>) src(%dma_wait3A_74 : memref<10112x128xf32, #tpu.memory_space<hbm>>) dst(%arg11 : memref<128x128xf32, #tpu.memory_space<vmem>>)
      "tpu.region"() ({
        %run_scoped3A = tpu.sem_alloc : memref<!tpu.dma_semaphore, #tpu.memory_space<semaphore_mem>>
        %dma_start3A_75 = arith.constant 0 : i32
        %dma_start3A_76 = arith.constant 0 : i32
        %dma_start3A_77 = tpu.memref_slice %arg12[%dma_start3A_75, %dma_start3A_76] : memref<10112x128xf32, #tpu.memory_space<vmem_shared>> -> memref<10112x128xf32, #tpu.memory_space<vmem_shared>>
        tpu.enqueue_indirect_dma source(%arg11 : memref<128x128xf32, #tpu.memory_space<vmem>>) target(%dma_start3A_77 : memref<10112x128xf32, #tpu.memory_space<vmem_shared>>) offsets(%arg9 : memref<128xi32, #tpu.memory_space<vmem>>) semaphore(%run_scoped3A : memref<!tpu.dma_semaphore, #tpu.memory_space<semaphore_mem>>) {add = true}
        %dma_wait3A_78 = arith.constant 0 : i32
        %dma_wait3A_79 = arith.constant 0 : i32
        %dma_wait3A_80 = tpu.memref_slice %arg12[%dma_wait3A_78, %dma_wait3A_79] : memref<10112x128xf32, #tpu.memory_space<vmem_shared>> -> memref<10112x128xf32, #tpu.memory_space<vmem_shared>>
        tpu.wait_indirect_dma semaphore(%run_scoped3A : memref<!tpu.dma_semaphore, #tpu.memory_space<semaphore_mem>>) src(%arg11 : memref<128x128xf32, #tpu.memory_space<vmem>>) dst(%dma_wait3A_80 : memref<10112x128xf32, #tpu.memory_space<vmem_shared>>)
        tpu.yield
      }) : () -> ()
    }
    %while3A_50 = arith.constant 1 : i32
    scf.for %while3A_56 = %while3A_48 to %while3A_44 step %while3A_50  : i32 {
      %mul3A_57 = arith.constant 2 : i32
      %mul3A_58 = arith.muli %mul3A_57, %while3A_56 : i32
      %add3A_59 = arith.constant 1 : i32
      %add3A_60 = arith.addi %mul3A_58, %add3A_59 : i32
      %add3A_61 = arith.addi %select_n3A, %add3A_60 : i32
      %mul3A_62 = arith.constant 128 : i32
      %mul3A_63 = arith.muli %add3A_61, %mul3A_62 : i32
      "tpu.region"() ({
        %run_scoped3A = tpu.sem_alloc : memref<!tpu.dma_semaphore, #tpu.memory_space<semaphore_mem>>
        %dma_start3A_75 = tpu.memref_slice %arg2[%mul3A_63] : memref<323584xi32, #tpu.memory_space<hbm>> -> memref<128xi32, #tpu.memory_space<hbm>>
        %dma_start3A_76 = tpu.memref_slice %arg2[%mul3A_63] : memref<323584xi32, #tpu.memory_space<hbm>> -> memref<128xi32, #tpu.memory_space<hbm>>
        tpu.enqueue_dma source(%dma_start3A_76 : memref<128xi32, #tpu.memory_space<hbm>>) target(%arg8 : memref<128xi32, #tpu.memory_space<vmem>>) target_semaphore(%run_scoped3A : memref<!tpu.dma_semaphore, #tpu.memory_space<semaphore_mem>>)
        %dma_wait3A_77 = tpu.memref_slice %arg2[%mul3A_63] : memref<323584xi32, #tpu.memory_space<hbm>> -> memref<128xi32, #tpu.memory_space<hbm>>
        %dma_wait3A_78 = tpu.memref_slice %arg2[%mul3A_63] : memref<323584xi32, #tpu.memory_space<hbm>> -> memref<128xi32, #tpu.memory_space<hbm>>
        tpu.wait_dma2 semaphore(%run_scoped3A : memref<!tpu.dma_semaphore, #tpu.memory_space<semaphore_mem>>) src(%dma_wait3A_78 : memref<128xi32, #tpu.memory_space<hbm>>) dst(%arg8 : memref<128xi32, #tpu.memory_space<vmem>>)
        tpu.yield
      }) : () -> ()
      "tpu.region"() ({
        %run_scoped3A = tpu.sem_alloc : memref<!tpu.dma_semaphore, #tpu.memory_space<semaphore_mem>>
        %dma_start3A_75 = tpu.memref_slice %arg3[%mul3A_63] : memref<323584xi32, #tpu.memory_space<hbm>> -> memref<128xi32, #tpu.memory_space<hbm>>
        %dma_start3A_76 = tpu.memref_slice %arg3[%mul3A_63] : memref<323584xi32, #tpu.memory_space<hbm>> -> memref<128xi32, #tpu.memory_space<hbm>>
        tpu.enqueue_dma source(%dma_start3A_76 : memref<128xi32, #tpu.memory_space<hbm>>) target(%arg9 : memref<128xi32, #tpu.memory_space<vmem>>) target_semaphore(%run_scoped3A : memref<!tpu.dma_semaphore, #tpu.memory_space<semaphore_mem>>)
        %dma_wait3A_77 = tpu.memref_slice %arg3[%mul3A_63] : memref<323584xi32, #tpu.memory_space<hbm>> -> memref<128xi32, #tpu.memory_space<hbm>>
        %dma_wait3A_78 = tpu.memref_slice %arg3[%mul3A_63] : memref<323584xi32, #tpu.memory_space<hbm>> -> memref<128xi32, #tpu.memory_space<hbm>>
        tpu.wait_dma2 semaphore(%run_scoped3A : memref<!tpu.dma_semaphore, #tpu.memory_space<semaphore_mem>>) src(%dma_wait3A_78 : memref<128xi32, #tpu.memory_space<hbm>>) dst(%arg9 : memref<128xi32, #tpu.memory_space<vmem>>)
        tpu.yield
      }) : () -> ()
      %dma_start3A_64 = arith.constant 0 : i32
      %dma_start3A_65 = arith.constant 0 : i32
      %dma_start3A_66 = tpu.memref_slice %arg4[%dma_start3A_64, %dma_start3A_65] : memref<10112x128xf32, #tpu.memory_space<hbm>> -> memref<10112x128xf32, #tpu.memory_space<hbm>>
      tpu.enqueue_indirect_dma source(%dma_start3A_66 : memref<10112x128xf32, #tpu.memory_space<hbm>>) target(%arg11 : memref<128x128xf32, #tpu.memory_space<vmem>>) offsets(%arg8 : memref<128xi32, #tpu.memory_space<vmem>>) semaphore(%arg14 : memref<!tpu.dma_semaphore, #tpu.memory_space<semaphore_mem>>)
      %dma_wait3A = arith.constant 0 : i32
      %dma_wait3A_67 = arith.constant 0 : i32
      %dma_wait3A_68 = tpu.memref_slice %arg4[%dma_wait3A, %dma_wait3A_67] : memref<10112x128xf32, #tpu.memory_space<hbm>> -> memref<10112x128xf32, #tpu.memory_space<hbm>>
      tpu.wait_indirect_dma semaphore(%arg13 : memref<!tpu.dma_semaphore, #tpu.memory_space<semaphore_mem>>) src(%dma_wait3A_68 : memref<10112x128xf32, #tpu.memory_space<hbm>>) dst(%arg10 : memref<128x128xf32, #tpu.memory_space<vmem>>)
      "tpu.region"() ({
        %run_scoped3A = tpu.sem_alloc : memref<!tpu.dma_semaphore, #tpu.memory_space<semaphore_mem>>
        %dma_start3A_75 = arith.constant 0 : i32
        %dma_start3A_76 = arith.constant 0 : i32
        %dma_start3A_77 = tpu.memref_slice %arg12[%dma_start3A_75, %dma_start3A_76] : memref<10112x128xf32, #tpu.memory_space<vmem_shared>> -> memref<10112x128xf32, #tpu.memory_space<vmem_shared>>
        tpu.enqueue_indirect_dma source(%arg10 : memref<128x128xf32, #tpu.memory_space<vmem>>) target(%dma_start3A_77 : memref<10112x128xf32, #tpu.memory_space<vmem_shared>>) offsets(%arg7 : memref<128xi32, #tpu.memory_space<vmem>>) semaphore(%run_scoped3A : memref<!tpu.dma_semaphore, #tpu.memory_space<semaphore_mem>>) {add = true}
        %dma_wait3A_78 = arith.constant 0 : i32
        %dma_wait3A_79 = arith.constant 0 : i32
        %dma_wait3A_80 = tpu.memref_slice %arg12[%dma_wait3A_78, %dma_wait3A_79] : memref<10112x128xf32, #tpu.memory_space<vmem_shared>> -> memref<10112x128xf32, #tpu.memory_space<vmem_shared>>
        tpu.wait_indirect_dma semaphore(%run_scoped3A : memref<!tpu.dma_semaphore, #tpu.memory_space<semaphore_mem>>) src(%arg10 : memref<128x128xf32, #tpu.memory_space<vmem>>) dst(%dma_wait3A_80 : memref<10112x128xf32, #tpu.memory_space<vmem_shared>>)
        tpu.yield
      }) : () -> ()
      %sub3A_69 = arith.constant 1 : i32
      %sub3A_70 = arith.subi %select_n3A_35, %sub3A_69 : i32
      %lt3A = arith.cmpi slt, %while3A_56, %sub3A_70 : i32
      %convert_element_type3A = arith.extui %lt3A : i1 to i32
      %cond3A = arith.constant 0 : i32
      %cond3A_71 = arith.cmpi ne, %convert_element_type3A, %cond3A : i32
      scf.if %cond3A_71 {
        %add3A_75 = arith.constant 2 : i32
        %add3A_76 = arith.addi %mul3A_58, %add3A_75 : i32
        %add3A_77 = arith.addi %select_n3A, %add3A_76 : i32
        %mul3A_78 = arith.constant 128 : i32
        %mul3A_79 = arith.muli %add3A_77, %mul3A_78 : i32
        "tpu.region"() ({
          %run_scoped3A = tpu.sem_alloc : memref<!tpu.dma_semaphore, #tpu.memory_space<semaphore_mem>>
          %dma_start3A_83 = tpu.memref_slice %arg2[%mul3A_79] : memref<323584xi32, #tpu.memory_space<hbm>> -> memref<128xi32, #tpu.memory_space<hbm>>
          %dma_start3A_84 = tpu.memref_slice %arg2[%mul3A_79] : memref<323584xi32, #tpu.memory_space<hbm>> -> memref<128xi32, #tpu.memory_space<hbm>>
          tpu.enqueue_dma source(%dma_start3A_84 : memref<128xi32, #tpu.memory_space<hbm>>) target(%arg6 : memref<128xi32, #tpu.memory_space<vmem>>) target_semaphore(%run_scoped3A : memref<!tpu.dma_semaphore, #tpu.memory_space<semaphore_mem>>)
          %dma_wait3A_85 = tpu.memref_slice %arg2[%mul3A_79] : memref<323584xi32, #tpu.memory_space<hbm>> -> memref<128xi32, #tpu.memory_space<hbm>>
          %dma_wait3A_86 = tpu.memref_slice %arg2[%mul3A_79] : memref<323584xi32, #tpu.memory_space<hbm>> -> memref<128xi32, #tpu.memory_space<hbm>>
          tpu.wait_dma2 semaphore(%run_scoped3A : memref<!tpu.dma_semaphore, #tpu.memory_space<semaphore_mem>>) src(%dma_wait3A_86 : memref<128xi32, #tpu.memory_space<hbm>>) dst(%arg6 : memref<128xi32, #tpu.memory_space<vmem>>)
          tpu.yield
        }) : () -> ()
        "tpu.region"() ({
          %run_scoped3A = tpu.sem_alloc : memref<!tpu.dma_semaphore, #tpu.memory_space<semaphore_mem>>
          %dma_start3A_83 = tpu.memref_slice %arg3[%mul3A_79] : memref<323584xi32, #tpu.memory_space<hbm>> -> memref<128xi32, #tpu.memory_space<hbm>>
          %dma_start3A_84 = tpu.memref_slice %arg3[%mul3A_79] : memref<323584xi32, #tpu.memory_space<hbm>> -> memref<128xi32, #tpu.memory_space<hbm>>
          tpu.enqueue_dma source(%dma_start3A_84 : memref<128xi32, #tpu.memory_space<hbm>>) target(%arg7 : memref<128xi32, #tpu.memory_space<vmem>>) target_semaphore(%run_scoped3A : memref<!tpu.dma_semaphore, #tpu.memory_space<semaphore_mem>>)
          %dma_wait3A_85 = tpu.memref_slice %arg3[%mul3A_79] : memref<323584xi32, #tpu.memory_space<hbm>> -> memref<128xi32, #tpu.memory_space<hbm>>
          %dma_wait3A_86 = tpu.memref_slice %arg3[%mul3A_79] : memref<323584xi32, #tpu.memory_space<hbm>> -> memref<128xi32, #tpu.memory_space<hbm>>
          tpu.wait_dma2 semaphore(%run_scoped3A : memref<!tpu.dma_semaphore, #tpu.memory_space<semaphore_mem>>) src(%dma_wait3A_86 : memref<128xi32, #tpu.memory_space<hbm>>) dst(%arg7 : memref<128xi32, #tpu.memory_space<vmem>>)
          tpu.yield
        }) : () -> ()
        %dma_start3A_80 = arith.constant 0 : i32
        %dma_start3A_81 = arith.constant 0 : i32
        %dma_start3A_82 = tpu.memref_slice %arg4[%dma_start3A_80, %dma_start3A_81] : memref<10112x128xf32, #tpu.memory_space<hbm>> -> memref<10112x128xf32, #tpu.memory_space<hbm>>
        tpu.enqueue_indirect_dma source(%dma_start3A_82 : memref<10112x128xf32, #tpu.memory_space<hbm>>) target(%arg10 : memref<128x128xf32, #tpu.memory_space<vmem>>) offsets(%arg6 : memref<128xi32, #tpu.memory_space<vmem>>) semaphore(%arg13 : memref<!tpu.dma_semaphore, #tpu.memory_space<semaphore_mem>>)
      } else {
      }
      %dma_wait3A_72 = arith.constant 0 : i32
      %dma_wait3A_73 = arith.constant 0 : i32
      %dma_wait3A_74 = tpu.memref_slice %arg4[%dma_wait3A_72, %dma_wait3A_73] : memref<10112x128xf32, #tpu.memory_space<hbm>> -> memref<10112x128xf32, #tpu.memory_space<hbm>>
      tpu.wait_indirect_dma semaphore(%arg14 : memref<!tpu.dma_semaphore, #tpu.memory_space<semaphore_mem>>) src(%dma_wait3A_74 : memref<10112x128xf32, #tpu.memory_space<hbm>>) dst(%arg11 : memref<128x128xf32, #tpu.memory_space<vmem>>)
      "tpu.region"() ({
        %run_scoped3A = tpu.sem_alloc : memref<!tpu.dma_semaphore, #tpu.memory_space<semaphore_mem>>
        %dma_start3A_75 = arith.constant 0 : i32
        %dma_start3A_76 = arith.constant 0 : i32
        %dma_start3A_77 = tpu.memref_slice %arg12[%dma_start3A_75, %dma_start3A_76] : memref<10112x128xf32, #tpu.memory_space<vmem_shared>> -> memref<10112x128xf32, #tpu.memory_space<vmem_shared>>
        tpu.enqueue_indirect_dma source(%arg11 : memref<128x128xf32, #tpu.memory_space<vmem>>) target(%dma_start3A_77 : memref<10112x128xf32, #tpu.memory_space<vmem_shared>>) offsets(%arg9 : memref<128xi32, #tpu.memory_space<vmem>>) semaphore(%run_scoped3A : memref<!tpu.dma_semaphore, #tpu.memory_space<semaphore_mem>>) {add = true}
        %dma_wait3A_78 = arith.constant 0 : i32
        %dma_wait3A_79 = arith.constant 0 : i32
        %dma_wait3A_80 = tpu.memref_slice %arg12[%dma_wait3A_78, %dma_wait3A_79] : memref<10112x128xf32, #tpu.memory_space<vmem_shared>> -> memref<10112x128xf32, #tpu.memory_space<vmem_shared>>
        tpu.wait_indirect_dma semaphore(%run_scoped3A : memref<!tpu.dma_semaphore, #tpu.memory_space<semaphore_mem>>) src(%arg11 : memref<128x128xf32, #tpu.memory_space<vmem>>) dst(%dma_wait3A_80 : memref<10112x128xf32, #tpu.memory_space<vmem_shared>>)
        tpu.yield
      }) : () -> ()
    }
    %barrier3A_51 = arith.constant 0 : index
    tpu.barrier barrier_id(%barrier3A_51)
    %mul3A_52 = arith.constant 632 : i32
    %mul3A_53 = arith.muli %arg1, %mul3A_52 : i32
    %mul3A_54 = arith.constant 632 : i32
    %mul3A_55 = arith.muli %arg1, %mul3A_54 : i32
    "tpu.region"() ({
      %run_scoped3A = tpu.sem_alloc : memref<!tpu.dma_semaphore, #tpu.memory_space<semaphore_mem>>
      %dma_start3A_56 = arith.constant 0 : i32
      %dma_start3A_57 = tpu.memref_slice %arg5[%arg0, %mul3A_55, %dma_start3A_56] : memref<2x10112x128xf32, #tpu.memory_space<hbm>> -> memref<1x632x128xf32, #tpu.memory_space<hbm>>
      %dma_start3A_58 = tpu.memref_squeeze %dma_start3A_57 : memref<1x632x128xf32, #tpu.memory_space<hbm>> -> memref<632x128xf32, #tpu.memory_space<hbm>>
      %dma_start3A_59 = arith.constant 0 : i32
      %dma_start3A_60 = tpu.memref_slice %arg12[%mul3A_53, %dma_start3A_59] : memref<10112x128xf32, #tpu.memory_space<vmem_shared>> -> memref<632x128xf32, #tpu.memory_space<vmem_shared>>
      tpu.enqueue_dma source(%dma_start3A_60 : memref<632x128xf32, #tpu.memory_space<vmem_shared>>) target(%dma_start3A_58 : memref<632x128xf32, #tpu.memory_space<hbm>>) target_semaphore(%run_scoped3A : memref<!tpu.dma_semaphore, #tpu.memory_space<semaphore_mem>>)
      %dma_wait3A = arith.constant 0 : i32
      %dma_wait3A_61 = tpu.memref_slice %arg5[%arg0, %mul3A_55, %dma_wait3A] : memref<2x10112x128xf32, #tpu.memory_space<hbm>> -> memref<1x632x128xf32, #tpu.memory_space<hbm>>
      %dma_wait3A_62 = tpu.memref_squeeze %dma_wait3A_61 : memref<1x632x128xf32, #tpu.memory_space<hbm>> -> memref<632x128xf32, #tpu.memory_space<hbm>>
      %dma_wait3A_63 = arith.constant 0 : i32
      %dma_wait3A_64 = tpu.memref_slice %arg12[%mul3A_53, %dma_wait3A_63] : memref<10112x128xf32, #tpu.memory_space<vmem_shared>> -> memref<632x128xf32, #tpu.memory_space<vmem_shared>>
      tpu.wait_dma2 semaphore(%run_scoped3A : memref<!tpu.dma_semaphore, #tpu.memory_space<semaphore_mem>>) src(%dma_wait3A_64 : memref<632x128xf32, #tpu.memory_space<vmem_shared>>) dst(%dma_wait3A_62 : memref<632x128xf32, #tpu.memory_space<hbm>>)
      tpu.yield
    }) : () -> ()
    return
  }
}

#map = affine_map<(d0, d1) -> (0, 0)>
#map1 = affine_map<(d0, d1) -> (0, 0, 0)>
module attributes {stable_mosaic.version = 14 : i64} {
  func.func @_deg_body(%arg0: i32, %arg1: i32, %arg2: memref<2528x128xi32, #tpu.memory_space<hbm>>, %arg3: memref<128x16xf32, #tpu.memory_space<hbm>>, %arg4: memref<10112x16xf32, #tpu.memory_space<hbm>>, %arg5: memref<2x10112x16xf32, #tpu.memory_space<hbm>>, %arg6: memref<79x128xi32, #tpu.memory_space<vmem>>, %arg7: memref<128x16xf32, #tpu.memory_space<vmem>>, %arg8: memref<10112x16xf32, #tpu.memory_space<vmem_shared>>) attributes {dimension_semantics = [#tpu.dimension_semantics<core_parallel>, #tpu.dimension_semantics<subcore_parallel>], iteration_bounds = array<i64: 2, 16>, scalar_prefetch = 0 : i64, scratch_operands = 3 : i64, tpu.core_type = #tpu.core_type<sc_vector_subcore>, window_params = [{transform_indices = #map}, {transform_indices = #map}, {transform_indices = #map}, {transform_indices = #map1}]} {
    %mul3A = arith.constant 16 : i32
    %mul3A_0 = arith.muli %arg0, %mul3A : i32
    %add3A = arith.addi %mul3A_0, %arg1 : i32
    "tpu.region"() ({
      %run_scoped3A = tpu.sem_alloc : memref<!tpu.dma_semaphore, #tpu.memory_space<semaphore_mem>>
      tpu.enqueue_dma source(%arg3 : memref<128x16xf32, #tpu.memory_space<hbm>>) target(%arg7 : memref<128x16xf32, #tpu.memory_space<vmem>>) target_semaphore(%run_scoped3A : memref<!tpu.dma_semaphore, #tpu.memory_space<semaphore_mem>>)
      tpu.wait_dma2 semaphore(%run_scoped3A : memref<!tpu.dma_semaphore, #tpu.memory_space<semaphore_mem>>) src(%arg3 : memref<128x16xf32, #tpu.memory_space<hbm>>) dst(%arg7 : memref<128x16xf32, #tpu.memory_space<vmem>>)
      tpu.yield
    }) : () -> ()
    %mul3A_1 = arith.constant 79 : i32
    %mul3A_2 = arith.muli %add3A, %mul3A_1 : i32
    "tpu.region"() ({
      %run_scoped3A = tpu.sem_alloc : memref<!tpu.dma_semaphore, #tpu.memory_space<semaphore_mem>>
      %dma_start3A = arith.constant 0 : i32
      %dma_start3A_17 = tpu.memref_slice %arg2[%mul3A_2, %dma_start3A] : memref<2528x128xi32, #tpu.memory_space<hbm>> -> memref<79x128xi32, #tpu.memory_space<hbm>>
      %dma_start3A_18 = arith.constant 0 : i32
      %dma_start3A_19 = tpu.memref_slice %arg2[%mul3A_2, %dma_start3A_18] : memref<2528x128xi32, #tpu.memory_space<hbm>> -> memref<79x128xi32, #tpu.memory_space<hbm>>
      tpu.enqueue_dma source(%dma_start3A_19 : memref<79x128xi32, #tpu.memory_space<hbm>>) target(%arg6 : memref<79x128xi32, #tpu.memory_space<vmem>>) target_semaphore(%run_scoped3A : memref<!tpu.dma_semaphore, #tpu.memory_space<semaphore_mem>>)
      %dma_wait3A = arith.constant 0 : i32
      %dma_wait3A_20 = tpu.memref_slice %arg2[%mul3A_2, %dma_wait3A] : memref<2528x128xi32, #tpu.memory_space<hbm>> -> memref<79x128xi32, #tpu.memory_space<hbm>>
      %dma_wait3A_21 = arith.constant 0 : i32
      %dma_wait3A_22 = tpu.memref_slice %arg2[%mul3A_2, %dma_wait3A_21] : memref<2528x128xi32, #tpu.memory_space<hbm>> -> memref<79x128xi32, #tpu.memory_space<hbm>>
      tpu.wait_dma2 semaphore(%run_scoped3A : memref<!tpu.dma_semaphore, #tpu.memory_space<semaphore_mem>>) src(%dma_wait3A_22 : memref<79x128xi32, #tpu.memory_space<hbm>>) dst(%arg6 : memref<79x128xi32, #tpu.memory_space<vmem>>)
      tpu.yield
    }) : () -> ()
    %mul3A_3 = arith.constant 632 : i32
    %mul3A_4 = arith.muli %arg1, %mul3A_3 : i32
    %mul3A_5 = arith.constant 632 : i32
    %mul3A_6 = arith.muli %arg1, %mul3A_5 : i32
    "tpu.region"() ({
      %run_scoped3A = tpu.sem_alloc : memref<!tpu.dma_semaphore, #tpu.memory_space<semaphore_mem>>
      %dma_start3A = arith.constant 0 : i32
      %dma_start3A_17 = tpu.memref_slice %arg8[%mul3A_6, %dma_start3A] : memref<10112x16xf32, #tpu.memory_space<vmem_shared>> -> memref<632x16xf32, #tpu.memory_space<vmem_shared>>
      %dma_start3A_18 = arith.constant 0 : i32
      %dma_start3A_19 = tpu.memref_slice %arg4[%mul3A_4, %dma_start3A_18] : memref<10112x16xf32, #tpu.memory_space<hbm>> -> memref<632x16xf32, #tpu.memory_space<hbm>>
      tpu.enqueue_dma source(%dma_start3A_19 : memref<632x16xf32, #tpu.memory_space<hbm>>) target(%dma_start3A_17 : memref<632x16xf32, #tpu.memory_space<vmem_shared>>) target_semaphore(%run_scoped3A : memref<!tpu.dma_semaphore, #tpu.memory_space<semaphore_mem>>)
      %dma_wait3A = arith.constant 0 : i32
      %dma_wait3A_20 = tpu.memref_slice %arg8[%mul3A_6, %dma_wait3A] : memref<10112x16xf32, #tpu.memory_space<vmem_shared>> -> memref<632x16xf32, #tpu.memory_space<vmem_shared>>
      %dma_wait3A_21 = arith.constant 0 : i32
      %dma_wait3A_22 = tpu.memref_slice %arg4[%mul3A_4, %dma_wait3A_21] : memref<10112x16xf32, #tpu.memory_space<hbm>> -> memref<632x16xf32, #tpu.memory_space<hbm>>
      tpu.wait_dma2 semaphore(%run_scoped3A : memref<!tpu.dma_semaphore, #tpu.memory_space<semaphore_mem>>) src(%dma_wait3A_22 : memref<632x16xf32, #tpu.memory_space<hbm>>) dst(%dma_wait3A_20 : memref<632x16xf32, #tpu.memory_space<vmem_shared>>)
      tpu.yield
    }) : () -> ()
    %barrier3A = arith.constant 0 : index
    tpu.barrier barrier_id(%barrier3A)
    %scan3A = arith.constant 0 : i32
    %scan3A_7 = arith.constant 0 : i32
    %scan3A_8 = arith.constant 79 : i32
    %scan3A_9 = arith.addi %scan3A_7, %scan3A_8 : i32
    %scan3A_10 = arith.constant 1 : i32
    scf.for %scan3A_17 = %scan3A_7 to %scan3A_9 step %scan3A_10  : i32 {
      "tpu.region"() ({
        %run_scoped3A = tpu.sem_alloc : memref<!tpu.dma_semaphore, #tpu.memory_space<semaphore_mem>>
        %dma_start3A = arith.constant 0 : i32
        %dma_start3A_18 = tpu.memref_slice %arg6[%scan3A_17, %dma_start3A] : memref<79x128xi32, #tpu.memory_space<vmem>> -> memref<1x128xi32, #tpu.memory_space<vmem>>
        %dma_start3A_19 = tpu.memref_squeeze %dma_start3A_18 : memref<1x128xi32, #tpu.memory_space<vmem>> -> memref<128xi32, #tpu.memory_space<vmem>>
        %dma_start3A_20 = arith.constant 0 : i32
        %dma_start3A_21 = arith.constant 0 : i32
        %dma_start3A_22 = tpu.memref_slice %arg8[%dma_start3A_20, %dma_start3A_21] : memref<10112x16xf32, #tpu.memory_space<vmem_shared>> -> memref<10112x16xf32, #tpu.memory_space<vmem_shared>>
        tpu.enqueue_indirect_dma source(%arg7 : memref<128x16xf32, #tpu.memory_space<vmem>>) target(%dma_start3A_22 : memref<10112x16xf32, #tpu.memory_space<vmem_shared>>) offsets(%dma_start3A_19 : memref<128xi32, #tpu.memory_space<vmem>>) semaphore(%run_scoped3A : memref<!tpu.dma_semaphore, #tpu.memory_space<semaphore_mem>>) {add = true}
        %dma_wait3A = arith.constant 0 : i32
        %dma_wait3A_23 = tpu.memref_slice %arg6[%scan3A_17, %dma_wait3A] : memref<79x128xi32, #tpu.memory_space<vmem>> -> memref<1x128xi32, #tpu.memory_space<vmem>>
        %dma_wait3A_24 = tpu.memref_squeeze %dma_wait3A_23 : memref<1x128xi32, #tpu.memory_space<vmem>> -> memref<128xi32, #tpu.memory_space<vmem>>
        %dma_wait3A_25 = arith.constant 0 : i32
        %dma_wait3A_26 = arith.constant 0 : i32
        %dma_wait3A_27 = tpu.memref_slice %arg8[%dma_wait3A_25, %dma_wait3A_26] : memref<10112x16xf32, #tpu.memory_space<vmem_shared>> -> memref<10112x16xf32, #tpu.memory_space<vmem_shared>>
        tpu.wait_indirect_dma semaphore(%run_scoped3A : memref<!tpu.dma_semaphore, #tpu.memory_space<semaphore_mem>>) src(%arg7 : memref<128x16xf32, #tpu.memory_space<vmem>>) dst(%dma_wait3A_27 : memref<10112x16xf32, #tpu.memory_space<vmem_shared>>)
        tpu.yield
      }) : () -> ()
    }
    %scan3A_11 = arith.constant 79 : i32
    %barrier3A_12 = arith.constant 0 : index
    tpu.barrier barrier_id(%barrier3A_12)
    %mul3A_13 = arith.constant 632 : i32
    %mul3A_14 = arith.muli %arg1, %mul3A_13 : i32
    %mul3A_15 = arith.constant 632 : i32
    %mul3A_16 = arith.muli %arg1, %mul3A_15 : i32
    "tpu.region"() ({
      %run_scoped3A = tpu.sem_alloc : memref<!tpu.dma_semaphore, #tpu.memory_space<semaphore_mem>>
      %dma_start3A = arith.constant 0 : i32
      %dma_start3A_17 = tpu.memref_slice %arg5[%arg0, %mul3A_16, %dma_start3A] : memref<2x10112x16xf32, #tpu.memory_space<hbm>> -> memref<1x632x16xf32, #tpu.memory_space<hbm>>
      %dma_start3A_18 = tpu.memref_squeeze %dma_start3A_17 : memref<1x632x16xf32, #tpu.memory_space<hbm>> -> memref<632x16xf32, #tpu.memory_space<hbm>>
      %dma_start3A_19 = arith.constant 0 : i32
      %dma_start3A_20 = tpu.memref_slice %arg8[%mul3A_14, %dma_start3A_19] : memref<10112x16xf32, #tpu.memory_space<vmem_shared>> -> memref<632x16xf32, #tpu.memory_space<vmem_shared>>
      tpu.enqueue_dma source(%dma_start3A_20 : memref<632x16xf32, #tpu.memory_space<vmem_shared>>) target(%dma_start3A_18 : memref<632x16xf32, #tpu.memory_space<hbm>>) target_semaphore(%run_scoped3A : memref<!tpu.dma_semaphore, #tpu.memory_space<semaphore_mem>>)
      %dma_wait3A = arith.constant 0 : i32
      %dma_wait3A_21 = tpu.memref_slice %arg5[%arg0, %mul3A_16, %dma_wait3A] : memref<2x10112x16xf32, #tpu.memory_space<hbm>> -> memref<1x632x16xf32, #tpu.memory_space<hbm>>
      %dma_wait3A_22 = tpu.memref_squeeze %dma_wait3A_21 : memref<1x632x16xf32, #tpu.memory_space<hbm>> -> memref<632x16xf32, #tpu.memory_space<hbm>>
      %dma_wait3A_23 = arith.constant 0 : i32
      %dma_wait3A_24 = tpu.memref_slice %arg8[%mul3A_14, %dma_wait3A_23] : memref<10112x16xf32, #tpu.memory_space<vmem_shared>> -> memref<632x16xf32, #tpu.memory_space<vmem_shared>>
      tpu.wait_dma2 semaphore(%run_scoped3A : memref<!tpu.dma_semaphore, #tpu.memory_space<semaphore_mem>>) src(%dma_wait3A_24 : memref<632x16xf32, #tpu.memory_space<vmem_shared>>) dst(%dma_wait3A_22 : memref<632x16xf32, #tpu.memory_space<hbm>>)
      tpu.yield
    }) : () -> ()
    return
  }
}

module attributes {stable_mosaic.version = 14 : i64} {
  func.func @_y_body(%arg0: i32, %arg1: memref<2528x128xf32, #tpu.memory_space<vmem>>, %arg2: memref<128x128xf32, #tpu.memory_space<vmem>>, %arg3: memref<2x2528x16xf32, #tpu.memory_space<vmem>>, %arg4: memref<2528x128xf32, #tpu.memory_space<vmem>>) attributes {dimension_semantics = [#tpu.dimension_semantics<arbitrary>], iteration_bounds = array<i64: 4>, scalar_prefetch = 0 : i64, scratch_operands = 0 : i64, tpu.core_type = #tpu.core_type<tc>, window_params = [{transform_indices = @transform_0, window_bounds = array<i64: 2528, 128>}, {pipeline_mode = #tpu.pipeline_mode<synchronous>, transform_indices = @transform_1, window_bounds = array<i64: 128, 128>}, {transform_indices = @transform_2, window_bounds = array<i64: 2, 2528, 16>}, {transform_indices = @transform_3, window_bounds = array<i64: 2528, 128>}]} {
    %get3A = arith.constant 0 : index
    %get3A_0 = arith.constant 0 : index
    %get3A_1 = arith.constant 0 : index
    %get3A_2 = vector.load %arg3[%get3A, %get3A_0, %get3A_1] : memref<2x2528x16xf32, #tpu.memory_space<vmem>>, vector<1x2528x1xf32>
    %get3A_3 = vector.shape_cast %get3A_2 : vector<1x2528x1xf32> to vector<2528x1xf32>
    %get3A_4 = arith.constant 1 : index
    %get3A_5 = arith.constant 0 : index
    %get3A_6 = arith.constant 0 : index
    %get3A_7 = vector.load %arg3[%get3A_4, %get3A_5, %get3A_6] : memref<2x2528x16xf32, #tpu.memory_space<vmem>>, vector<1x2528x1xf32>
    %get3A_8 = vector.shape_cast %get3A_7 : vector<1x2528x1xf32> to vector<2528x1xf32>
    %add3A = arith.addf %get3A_3, %get3A_8 : vector<2528x1xf32>
    %add3A_9 = arith.constant 1.000000e+00 : f32
    %add3A_10 = vector.broadcast %add3A_9 : f32 to vector<2528x1xf32>
    %add3A_11 = arith.addf %add3A, %add3A_10 : vector<2528x1xf32>
    %rsqrt3A = math.rsqrt %add3A_11 : vector<2528x1xf32>
    %get3A_12 = arith.constant 0 : index
    %get3A_13 = arith.constant 0 : index
    %get3A_14 = vector.load %arg1[%get3A_12, %get3A_13] : memref<2528x128xf32, #tpu.memory_space<vmem>>, vector<2528x128xf32>
    %get3A_15 = arith.constant 0 : index
    %get3A_16 = arith.constant 0 : index
    %get3A_17 = vector.load %arg2[%get3A_15, %get3A_16] : memref<128x128xf32, #tpu.memory_space<vmem>>, vector<128x128xf32>
    %dot_general3A = arith.constant dense<0.000000e+00> : vector<2528x128xf32>
    %dot_general3A_18 = tpu.matmul %get3A_14, %get3A_17, %dot_general3A {dimension_numbers = #tpu.dot_dimension_numbers<[1], [1], [0], [0], [0, 0, 1, 0], [], []>, transpose_lhs_hint = false} : vector<2528x128xf32>, vector<128x128xf32>, vector<2528x128xf32> -> vector<2528x128xf32>
    %mul3A = vector.broadcast %rsqrt3A : vector<2528x1xf32> to vector<2528x128xf32>
    %mul3A_19 = arith.mulf %mul3A, %dot_general3A_18 : vector<2528x128xf32>
    %swap3A = arith.constant 0 : index
    %swap3A_20 = arith.constant 0 : index
    %swap3A_21 = vector.load %arg4[%swap3A, %swap3A_20] : memref<2528x128xf32, #tpu.memory_space<vmem>>, vector<2528x128xf32>
    tpu.vector_store %arg4[%swap3A, %swap3A_20], %mul3A_19 {strides = array<i32>} : memref<2528x128xf32, #tpu.memory_space<vmem>>, vector<2528x128xf32>,
    return
  }
  func.func @transform_0(%arg0: i32) -> (i32, i32) {
    %c0_i32 = arith.constant 0 : i32
    %c0_i32_0 = arith.constant 0 : i32
    return %arg0, %c0_i32 : i32, i32
  }
  func.func @transform_1(%arg0: i32) -> (i32, i32) {
    %c0_i32 = arith.constant 0 : i32
    %c0_i32_0 = arith.constant 0 : i32
    %c0_i32_1 = arith.constant 0 : i32
    return %c0_i32, %c0_i32_0 : i32, i32
  }
  func.func @transform_2(%arg0: i32) -> (i32, i32, i32) {
    %c0_i32 = arith.constant 0 : i32
    %c0_i32_0 = arith.constant 0 : i32
    %c0_i32_1 = arith.constant 0 : i32
    return %c0_i32, %arg0, %c0_i32_0 : i32, i32, i32
  }
  func.func @transform_3(%arg0: i32) -> (i32, i32) {
    %c0_i32 = arith.constant 0 : i32
    %c0_i32_0 = arith.constant 0 : i32
    return %arg0, %c0_i32 : i32, i32
  }
}

module attributes {stable_mosaic.version = 14 : i64} {
  func.func @_agg_body(%arg0: i32, %arg1: memref<2x1000x128xf32, #tpu.memory_space<vmem>>, %arg2: memref<1000x128xf32, #tpu.memory_space<vmem>>, %arg3: memref<2x1000x16xf32, #tpu.memory_space<vmem>>, %arg4: memref<1x128xf32, #tpu.memory_space<vmem>>, %arg5: memref<1000x128xf32, #tpu.memory_space<vmem>>, %arg6: memref<2x128xf32, #tpu.memory_space<vmem>>) attributes {dimension_semantics = [#tpu.dimension_semantics<arbitrary>], iteration_bounds = array<i64: 10>, scalar_prefetch = 0 : i64, scratch_operands = 0 : i64, tpu.core_type = #tpu.core_type<tc>, window_params = [{transform_indices = @transform_0, window_bounds = array<i64: 2, 1000, 128>}, {transform_indices = @transform_1, window_bounds = array<i64: 1000, 128>}, {transform_indices = @transform_2, window_bounds = array<i64: 2, 1000, 16>}, {pipeline_mode = #tpu.pipeline_mode<synchronous>, transform_indices = @transform_3, window_bounds = array<i64: 1, 128>}, {transform_indices = @transform_4, window_bounds = array<i64: 1000, 128>}, {pipeline_mode = #tpu.pipeline_mode<synchronous>, transform_indices = @transform_5, window_bounds = array<i64: 2, 128>}]} {
    %get3A = arith.constant 0 : index
    %get3A_0 = arith.constant 0 : index
    %get3A_1 = arith.constant 0 : index
    %get3A_2 = vector.load %arg3[%get3A, %get3A_0, %get3A_1] : memref<2x1000x16xf32, #tpu.memory_space<vmem>>, vector<1x1000x1xf32>
    %get3A_3 = vector.shape_cast %get3A_2 : vector<1x1000x1xf32> to vector<1000x1xf32>
    %get3A_4 = arith.constant 1 : index
    %get3A_5 = arith.constant 0 : index
    %get3A_6 = arith.constant 0 : index
    %get3A_7 = vector.load %arg3[%get3A_4, %get3A_5, %get3A_6] : memref<2x1000x16xf32, #tpu.memory_space<vmem>>, vector<1x1000x1xf32>
    %get3A_8 = vector.shape_cast %get3A_7 : vector<1x1000x1xf32> to vector<1000x1xf32>
    %add3A = arith.addf %get3A_3, %get3A_8 : vector<1000x1xf32>
    %add3A_9 = arith.constant 1.000000e+00 : f32
    %add3A_10 = vector.broadcast %add3A_9 : f32 to vector<1000x1xf32>
    %add3A_11 = arith.addf %add3A, %add3A_10 : vector<1000x1xf32>
    %rsqrt3A = math.rsqrt %add3A_11 : vector<1000x1xf32>
    %get3A_12 = arith.constant 0 : index
    %get3A_13 = arith.constant 0 : index
    %get3A_14 = arith.constant 0 : index
    %get3A_15 = vector.load %arg1[%get3A_12, %get3A_13, %get3A_14] : memref<2x1000x128xf32, #tpu.memory_space<vmem>>, vector<1x1000x128xf32>
    %get3A_16 = vector.shape_cast %get3A_15 : vector<1x1000x128xf32> to vector<1000x128xf32>
    %get3A_17 = arith.constant 1 : index
    %get3A_18 = arith.constant 0 : index
    %get3A_19 = arith.constant 0 : index
    %get3A_20 = vector.load %arg1[%get3A_17, %get3A_18, %get3A_19] : memref<2x1000x128xf32, #tpu.memory_space<vmem>>, vector<1x1000x128xf32>
    %get3A_21 = vector.shape_cast %get3A_20 : vector<1x1000x128xf32> to vector<1000x128xf32>
    %add3A_22 = arith.addf %get3A_16, %get3A_21 : vector<1000x128xf32>
    %get3A_23 = arith.constant 0 : index
    %get3A_24 = arith.constant 0 : index
    %get3A_25 = vector.load %arg2[%get3A_23, %get3A_24] : memref<1000x128xf32, #tpu.memory_space<vmem>>, vector<1000x128xf32>
    %add3A_26 = arith.addf %add3A_22, %get3A_25 : vector<1000x128xf32>
    %mul3A = vector.broadcast %rsqrt3A : vector<1000x1xf32> to vector<1000x128xf32>
    %mul3A_27 = arith.mulf %mul3A, %add3A_26 : vector<1000x128xf32>
    %get3A_28 = arith.constant 0 : index
    %get3A_29 = arith.constant 0 : index
    %get3A_30 = vector.load %arg4[%get3A_28, %get3A_29] : memref<1x128xf32, #tpu.memory_space<vmem>>, vector<1x128xf32>
    %add3A_31 = vector.broadcast %get3A_30 : vector<1x128xf32> to vector<1000x128xf32>
    %add3A_32 = arith.addf %mul3A_27, %add3A_31 : vector<1000x128xf32>
    %swap3A = arith.constant 0 : index
    %swap3A_33 = arith.constant 0 : index
    %swap3A_34 = vector.load %arg5[%swap3A, %swap3A_33] : memref<1000x128xf32, #tpu.memory_space<vmem>>, vector<1000x128xf32>
    tpu.vector_store %arg5[%swap3A, %swap3A_33], %add3A_32 {strides = array<i32>} : memref<1000x128xf32, #tpu.memory_space<vmem>>, vector<1000x128xf32>,
    %reduce_sum3A = arith.constant dense<0.000000e+00> : vector<128xf32>
    %reduce_sum3A_35 = vector.multi_reduction <add>, %add3A_32, %reduce_sum3A [0] : vector<1000x128xf32> to vector<128xf32>
    %broadcast_in_dim3A = vector.shape_cast %reduce_sum3A_35 : vector<128xf32> to vector<1x128xf32>
    %mul3A_36 = arith.mulf %add3A_32, %add3A_32 : vector<1000x128xf32>
    %reduce_sum3A_37 = arith.constant dense<0.000000e+00> : vector<128xf32>
    %reduce_sum3A_38 = vector.multi_reduction <add>, %mul3A_36, %reduce_sum3A_37 [0] : vector<1000x128xf32> to vector<128xf32>
    %broadcast_in_dim3A_39 = vector.shape_cast %reduce_sum3A_38 : vector<128xf32> to vector<1x128xf32>
    %concatenate3A = tpu.concatenate %broadcast_in_dim3A, %broadcast_in_dim3A_39 in 0 : vector<1x128xf32>, vector<1x128xf32> -> vector<2x128xf32>
    %eq3A = arith.constant 0 : i32
    %eq3A_40 = arith.cmpi eq, %arg0, %eq3A : i32
    %convert_element_type3A = arith.extui %eq3A_40 : i1 to i32
    %cond3A = arith.constant 0 : i32
    %cond3A_41 = arith.cmpi ne, %convert_element_type3A, %cond3A : i32
    scf.if %cond3A_41 {
      %swap3A_46 = arith.constant 0 : index
      %swap3A_47 = arith.constant 0 : index
      %swap3A_48 = vector.load %arg6[%swap3A_46, %swap3A_47] : memref<2x128xf32, #tpu.memory_space<vmem>>, vector<2x128xf32>
      tpu.vector_store %arg6[%swap3A_46, %swap3A_47], %concatenate3A {strides = array<i32>} : memref<2x128xf32, #tpu.memory_space<vmem>>, vector<2x128xf32>,
    } else {
    }
    %gt3A = arith.constant 0 : i32
    %gt3A_42 = arith.cmpi sgt, %arg0, %gt3A : i32
    %convert_element_type3A_43 = arith.extui %gt3A_42 : i1 to i32
    %cond3A_44 = arith.constant 0 : i32
    %cond3A_45 = arith.cmpi ne, %convert_element_type3A_43, %cond3A_44 : i32
    scf.if %cond3A_45 {
      %get3A_46 = arith.constant 0 : index
      %get3A_47 = arith.constant 0 : index
      %get3A_48 = vector.load %arg6[%get3A_46, %get3A_47] : memref<2x128xf32, #tpu.memory_space<vmem>>, vector<2x128xf32>
      %add3A_49 = arith.addf %get3A_48, %concatenate3A : vector<2x128xf32>
      %swap3A_50 = arith.constant 0 : index
      %swap3A_51 = arith.constant 0 : index
      %swap3A_52 = vector.load %arg6[%swap3A_50, %swap3A_51] : memref<2x128xf32, #tpu.memory_space<vmem>>, vector<2x128xf32>
      tpu.vector_store %arg6[%swap3A_50, %swap3A_51], %add3A_49 {strides = array<i32>} : memref<2x128xf32, #tpu.memory_space<vmem>>, vector<2x128xf32>,
    } else {
    }
    return
  }
  func.func @transform_0(%arg0: i32) -> (i32, i32, i32) {
    %c0_i32 = arith.constant 0 : i32
    %c0_i32_0 = arith.constant 0 : i32
    %c0_i32_1 = arith.constant 0 : i32
    return %c0_i32, %arg0, %c0_i32_0 : i32, i32, i32
  }
  func.func @transform_1(%arg0: i32) -> (i32, i32) {
    %c0_i32 = arith.constant 0 : i32
    %c0_i32_0 = arith.constant 0 : i32
    return %arg0, %c0_i32 : i32, i32
  }
  func.func @transform_2(%arg0: i32) -> (i32, i32, i32) {
    %c0_i32 = arith.constant 0 : i32
    %c0_i32_0 = arith.constant 0 : i32
    %c0_i32_1 = arith.constant 0 : i32
    return %c0_i32, %arg0, %c0_i32_0 : i32, i32, i32
  }
  func.func @transform_3(%arg0: i32) -> (i32, i32) {
    %c0_i32 = arith.constant 0 : i32
    %c0_i32_0 = arith.constant 0 : i32
    %c0_i32_1 = arith.constant 0 : i32
    return %c0_i32, %c0_i32_0 : i32, i32
  }
  func.func @transform_4(%arg0: i32) -> (i32, i32) {
    %c0_i32 = arith.constant 0 : i32
    %c0_i32_0 = arith.constant 0 : i32
    return %arg0, %c0_i32 : i32, i32
  }
  func.func @transform_5(%arg0: i32) -> (i32, i32) {
    %c0_i32 = arith.constant 0 : i32
    %c0_i32_0 = arith.constant 0 : i32
    %c0_i32_1 = arith.constant 0 : i32
    return %c0_i32, %c0_i32_0 : i32, i32
  }
}

module attributes {stable_mosaic.version = 14 : i64} {
  func.func @_fin_body(%arg0: i32, %arg1: memref<1000x128xf32, #tpu.memory_space<vmem>>, %arg2: memref<2x128xf32, #tpu.memory_space<vmem>>, %arg3: memref<1x128xf32, #tpu.memory_space<vmem>>, %arg4: memref<1x128xf32, #tpu.memory_space<vmem>>, %arg5: memref<1000x128xf32, #tpu.memory_space<vmem>>, %arg6: memref<1000x128xf32, #tpu.memory_space<vmem>>) attributes {dimension_semantics = [#tpu.dimension_semantics<arbitrary>], iteration_bounds = array<i64: 10>, scalar_prefetch = 0 : i64, scratch_operands = 0 : i64, tpu.core_type = #tpu.core_type<tc>, window_params = [{transform_indices = @transform_0, window_bounds = array<i64: 1000, 128>}, {pipeline_mode = #tpu.pipeline_mode<synchronous>, transform_indices = @transform_1, window_bounds = array<i64: 2, 128>}, {pipeline_mode = #tpu.pipeline_mode<synchronous>, transform_indices = @transform_2, window_bounds = array<i64: 1, 128>}, {pipeline_mode = #tpu.pipeline_mode<synchronous>, transform_indices = @transform_3, window_bounds = array<i64: 1, 128>}, {transform_indices = @transform_4, window_bounds = array<i64: 1000, 128>}, {transform_indices = @transform_5, window_bounds = array<i64: 1000, 128>}]} {
    %get3A = arith.constant 0 : index
    %get3A_0 = arith.constant 0 : index
    %get3A_1 = vector.load %arg2[%get3A, %get3A_0] : memref<2x128xf32, #tpu.memory_space<vmem>>, vector<1x128xf32>
    %mul3A = arith.constant 9.99999974E-5 : f32
    %mul3A_2 = vector.broadcast %mul3A : f32 to vector<1x128xf32>
    %mul3A_3 = arith.mulf %get3A_1, %mul3A_2 : vector<1x128xf32>
    %get3A_4 = arith.constant 1 : index
    %get3A_5 = arith.constant 0 : index
    %get3A_6 = vector.load %arg2[%get3A_4, %get3A_5] : memref<2x128xf32, #tpu.memory_space<vmem>>, vector<1x128xf32>
    %mul3A_7 = arith.constant 9.99999974E-5 : f32
    %mul3A_8 = vector.broadcast %mul3A_7 : f32 to vector<1x128xf32>
    %mul3A_9 = arith.mulf %get3A_6, %mul3A_8 : vector<1x128xf32>
    %mul3A_10 = arith.mulf %mul3A_3, %mul3A_3 : vector<1x128xf32>
    %sub3A = arith.subf %mul3A_9, %mul3A_10 : vector<1x128xf32>
    %add3A = arith.constant 9.99999974E-6 : f32
    %add3A_11 = vector.broadcast %add3A : f32 to vector<1x128xf32>
    %add3A_12 = arith.addf %sub3A, %add3A_11 : vector<1x128xf32>
    %rsqrt3A = math.rsqrt %add3A_12 : vector<1x128xf32>
    %get3A_13 = arith.constant 0 : index
    %get3A_14 = arith.constant 0 : index
    %get3A_15 = vector.load %arg1[%get3A_13, %get3A_14] : memref<1000x128xf32, #tpu.memory_space<vmem>>, vector<1000x128xf32>
    %sub3A_16 = vector.broadcast %mul3A_3 : vector<1x128xf32> to vector<1000x128xf32>
    %sub3A_17 = arith.subf %get3A_15, %sub3A_16 : vector<1000x128xf32>
    %mul3A_18 = vector.broadcast %rsqrt3A : vector<1x128xf32> to vector<1000x128xf32>
    %mul3A_19 = arith.mulf %sub3A_17, %mul3A_18 : vector<1000x128xf32>
    %get3A_20 = arith.constant 0 : index
    %get3A_21 = arith.constant 0 : index
    %get3A_22 = vector.load %arg3[%get3A_20, %get3A_21] : memref<1x128xf32, #tpu.memory_space<vmem>>, vector<1x128xf32>
    %mul3A_23 = vector.broadcast %get3A_22 : vector<1x128xf32> to vector<1000x128xf32>
    %mul3A_24 = arith.mulf %mul3A_19, %mul3A_23 : vector<1000x128xf32>
    %get3A_25 = arith.constant 0 : index
    %get3A_26 = arith.constant 0 : index
    %get3A_27 = vector.load %arg4[%get3A_25, %get3A_26] : memref<1x128xf32, #tpu.memory_space<vmem>>, vector<1x128xf32>
    %add3A_28 = vector.broadcast %get3A_27 : vector<1x128xf32> to vector<1000x128xf32>
    %add3A_29 = arith.addf %mul3A_24, %add3A_28 : vector<1000x128xf32>
    %ge3A = arith.constant 0.000000e+00 : f32
    %ge3A_30 = vector.broadcast %ge3A : f32 to vector<1000x128xf32>
    %ge3A_31 = arith.cmpf oge, %add3A_29, %ge3A_30 : vector<1000x128xf32>
    %mul3A_32 = arith.constant 1.000000e-01 : f32
    %mul3A_33 = vector.broadcast %mul3A_32 : f32 to vector<1000x128xf32>
    %mul3A_34 = arith.mulf %mul3A_33, %add3A_29 : vector<1000x128xf32>
    %select_n3A = arith.select %ge3A_31, %add3A_29, %mul3A_34 : vector<1000x128xi1>, vector<1000x128xf32>
    %get3A_35 = arith.constant 0 : index
    %get3A_36 = arith.constant 0 : index
    %get3A_37 = vector.load %arg5[%get3A_35, %get3A_36] : memref<1000x128xf32, #tpu.memory_space<vmem>>, vector<1000x128xf32>
    %add3A_38 = arith.addf %select_n3A, %get3A_37 : vector<1000x128xf32>
    %ge3A_39 = arith.constant 0.000000e+00 : f32
    %ge3A_40 = vector.broadcast %ge3A_39 : f32 to vector<1000x128xf32>
    %ge3A_41 = arith.cmpf oge, %add3A_38, %ge3A_40 : vector<1000x128xf32>
    %mul3A_42 = arith.constant 1.000000e-01 : f32
    %mul3A_43 = vector.broadcast %mul3A_42 : f32 to vector<1000x128xf32>
    %mul3A_44 = arith.mulf %mul3A_43, %add3A_38 : vector<1000x128xf32>
    %select_n3A_45 = arith.select %ge3A_41, %add3A_38, %mul3A_44 : vector<1000x128xi1>, vector<1000x128xf32>
    %swap3A = arith.constant 0 : index
    %swap3A_46 = arith.constant 0 : index
    %swap3A_47 = vector.load %arg6[%swap3A, %swap3A_46] : memref<1000x128xf32, #tpu.memory_space<vmem>>, vector<1000x128xf32>
    tpu.vector_store %arg6[%swap3A, %swap3A_46], %select_n3A_45 {strides = array<i32>} : memref<1000x128xf32, #tpu.memory_space<vmem>>, vector<1000x128xf32>,
    return
  }
  func.func @transform_0(%arg0: i32) -> (i32, i32) {
    %c0_i32 = arith.constant 0 : i32
    %c0_i32_0 = arith.constant 0 : i32
    return %arg0, %c0_i32 : i32, i32
  }
  func.func @transform_1(%arg0: i32) -> (i32, i32) {
    %c0_i32 = arith.constant 0 : i32
    %c0_i32_0 = arith.constant 0 : i32
    %c0_i32_1 = arith.constant 0 : i32
    return %c0_i32, %c0_i32_0 : i32, i32
  }
  func.func @transform_2(%arg0: i32) -> (i32, i32) {
    %c0_i32 = arith.constant 0 : i32
    %c0_i32_0 = arith.constant 0 : i32
    %c0_i32_1 = arith.constant 0 : i32
    return %c0_i32, %c0_i32_0 : i32, i32
  }
  func.func @transform_3(%arg0: i32) -> (i32, i32) {
    %c0_i32 = arith.constant 0 : i32
    %c0_i32_0 = arith.constant 0 : i32
    %c0_i32_1 = arith.constant 0 : i32
    return %c0_i32, %c0_i32_0 : i32, i32
  }
  func.func @transform_4(%arg0: i32) -> (i32, i32) {
    %c0_i32 = arith.constant 0 : i32
    %c0_i32_0 = arith.constant 0 : i32
    return %arg0, %c0_i32 : i32, i32
  }
  func.func @transform_5(%arg0: i32) -> (i32, i32) {
    %c0_i32 = arith.constant 0 : i32
    %c0_i32_0 = arith.constant 0 : i32
    return %arg0, %c0_i32 : i32, i32
  }
}

</mosaic_0001>

<sc_bundles>
// kernel: kernel.10.cloned.1.call-start
scs
__scs_entry_jumppad:
0x0: {  	(pc) =	sbr.rel $0x88, $3  }
0x1: {  	(tag) =	ssettag $0x0;
	lr =	simm.s32 $0x1  }
0x2: {  	[smem:$0x3F9B] =	sst lr;
	_ =	strace $0xD0000000  }
0x3: {  	_ = 	snop  }
0x4: {  	_ = 	snop  }
0x5: {  	_ = 	snop  }
0x6: {  	_ = 	snop  }
0x7: {  	_ = 	snop  }
__scs_overlays_trampoline_lowered:
0x8: {  	[smem:$0x3FAA] =	sst s0  }
0x9: {  	[smem:$0x3FAB] =	sst s1  }
0xa: {  	[smem:$0x3FAC] =	sst s2  }
0xb: {  	[smem:$0x3FAD] =	sst s3  }
0xc: {  	[smem:$0x3FAE] =	sst s4  }
0xd: {  	[smem:$0x3FAF] =	sst s5  }
0xe: {  	[smem:$0x3FB0] =	sst s6  }
0xf: {  	[smem:$0x3FB1] =	sst s7  }
0x10: {  	[smem:$0x3FB2] =	sst s8  }
0x11: {  	[smem:$0x3FB3] =	sst s9;
	s0 =	simm.s32 @!p0 $0x0  }
0x12: {  	s1 =	sld [smem:$0x3F99];
	s0 =	simm.s32 @p0 $0x1  }
0x13: {  	[smem:$0x3FB4] =	sst s0;
	s0 =	simm.s32 @!p1 $0x0  }
0x14: {  	s2 =	sld [smem:$0x3F98];
	s0 =	simm.s32 @p1 $0x1  }
0x15: {  	[smem:$0x3FB5] =	sst s0;
	s0 =	simm.s32 @!p2 $0x0  }
0x16: {  	s3 =	sld [smem:$0x3FDB];
	s0 =	simm.s32 @p2 $0x1  }
0x17: {  	s4 =	simm.s32 $0x1BF5;
	[smem:$0x3FB7] =	sst s0  }
0x18: {  	s0 =	sld [smem:$0x3F9A];
	_ =	swait.ge [sflag:s4], $0x0  }
0x19: {  	s7 =	sld [smem:$0x3F9B]  }
0x1a: {  	s8 =	sadd.s32 $0xFFFFE003, lr  }
0x1b: {  	s9 =	sadd.s32 $0xFFFFFEF7, lr;
	s5 =	simm.s32 $0xFFFFFFFF;
	p2 =	slt.u32 s8, $0xFFFFF086  }
0x1c: {  	p1 =	slt.u32 s9, $0xF7A;
	s5 =	simm.s32 @!p2 $0x0  }
0x1d: {  	s5 =	simm.s32 @p1 $0x1;
	p0 =	seq.s32 s7, s2  }
0x1e: {  	s7 =	smul.u32 @!p0 $0xF7A, s2;
	p2 =	seq.s32 @!p0 s5, $0x0  }
0x1f: {  	s9 =	smul.u32 $0xF7A, s1;
	s8 =	simm.s32 @!p0 $0x1BF5;
	p2 =	por !p2, p0  }
0x20: {  	[sflag:s8] =	ssyncset.s32 @!p0 $0xFFFFF086;
	s6 =	sadd.s32 @!p0 s3, s7;
	s7 =	simm.s32 @!p0 $0x108  }
0x21: {  	s3 =	sadd.s32 s3, s9;
	s6 =	sadd.s32 @!p0 $0x88, s6;
	s7 =	simm.s32 @p2 $0x1082  }
0x22: {  	[simem:s7], [sflag:s8] =	dma.local @!p0 [hbm:s6], $0xF7A  }
0x23: {  	s9 =	sor.u32 $0xD0000000, s2;
	s6 =	simm.s32 $0x108;
	_ =	swait.ge @!p0 [sflag:s8], $0x0  }
0x24: {  	s3 =	sadd.s32 $0x88, s3;
	s6 =	simm.s32 @!p1 $0x1082;
	[sflag:s4] =	ssyncset.s32 $0xFFFFF086  }
0x25: {  	[simem:s6], [sflag:s4] =	dma.local [hbm:s3], $0xF7A  }
0x26: {  	[smem:$0x3F9B] =	sst s1;
	(tag) =	ssettag s2;
	_ =	strace s9  }
0x27: {  	s1 =	sld [smem:$0x3FAB]  }
0x28: {  	s2 =	sld [smem:$0x3FAC]  }
0x29: {  	s4 =	sld [smem:$0x3FAE]  }
0x2a: {  	p0 =	seq.s32 s5, $0x0;
	s5 =	sld [smem:$0x3FAF]  }
0x2b: {  	s6 =	sld [smem:$0x3FB0]  }
0x2c: {  	s7 =	sld [smem:$0x3FB1]  }
0x2d: {  	s3 =	simm.s32 $0x108;
	s8 =	sld [smem:$0x3FB2]  }
0x2e: {  	s3 =	simm.s32 @!p0 $0x1082;
	s9 =	sld [smem:$0x3FB3]  }
0x2f: {  	lr =	sadd.s32 s0, s3;
	s0 =	sld [smem:$0x3FAA]  }
0x30: {  	s3 =	sld [smem:$0x3FAD]  }
0x31: {  	[smem:$0x3FB6] =	sst s10  }
0x32: {  	s10 =	sld [smem:$0x3FB4];
	_ =	sdelay $0x3  }
0x33: {  	p0 =	seq.s32 s10, $0x1;
	s10 =	sld [smem:$0x3FB6];
	_ =	sdelay $0x3  }
0x34: {  	[smem:$0x3FB6] =	sst s10  }
0x35: {  	s10 =	sld [smem:$0x3FB5];
	_ =	sdelay $0x3  }
0x36: {  	p1 =	seq.s32 s10, $0x1;
	s10 =	sld [smem:$0x3FB6];
	_ =	sdelay $0x3  }
0x37: {  	[smem:$0x3FB6] =	sst s10  }
0x38: {  	s10 =	sld [smem:$0x3FB7]  }
0x39: {  	_ = 	snop;
	(pc) =	sbr.ind lr, $3  }
0x3a: {  	_ = 	snop  }
0x3b: {  	_ = 	snop  }
0x3c: {  	p2 =	seq.s32 s10, $0x1;
	s10 =	sld [smem:$0x3FB6]  }
0x3d: {  	_ =	shalt  }
0x3e: {  	_ =	shalt  }
0x3f: {  	_ =	shalt  }
0x40: {  	_ =	shalt  }
0x41: {  	_ =	shalt  }
0x42: {  	_ =	shalt  }
0x43: {  	_ =	shalt  }
0x44: {  	_ =	shalt  }
0x45: {  	_ =	shalt  }
0x46: {  	_ =	shalt  }
0x47: {  	_ =	shalt  }
0x48: {  	_ =	shalt  }
0x49: {  	_ =	shalt  }
0x4a: {  	_ =	shalt  }
0x4b: {  	_ =	shalt  }
0x4c: {  	_ =	shalt  }
0x4d: {  	_ =	shalt  }
0x4e: {  	_ =	shalt  }
0x4f: {  	_ =	shalt  }
0x50: {  	_ =	shalt  }
0x51: {  	_ =	shalt  }
0x52: {  	_ =	shalt  }
0x53: {  	_ =	shalt  }
0x54: {  	_ =	shalt  }
0x55: {  	_ =	shalt  }
0x56: {  	_ =	shalt  }
0x57: {  	_ =	shalt  }
0x58: {  	_ =	shalt  }
0x59: {  	_ =	shalt  }
0x5a: {  	_ =	shalt  }
0x5b: {  	_ =	shalt  }
0x5c: {  	_ =	shalt  }
0x5d: {  	_ =	shalt  }
0x5e: {  	_ =	shalt  }
0x5f: {  	_ =	shalt  }
0x60: {  	_ =	shalt  }
0x61: {  	_ =	shalt  }
0x62: {  	_ =	shalt  }
0x63: {  	_ =	shalt  }
0x64: {  	_ =	shalt  }
0x65: {  	_ =	shalt  }
0x66: {  	_ =	shalt  }
0x67: {  	_ =	shalt  }
0x68: {  	_ =	shalt  }
0x69: {  	_ =	shalt  }
0x6a: {  	_ =	shalt  }
0x6b: {  	_ =	shalt  }
0x6c: {  	_ =	shalt  }
0x6d: {  	_ =	shalt  }
0x6e: {  	_ =	shalt  }
0x6f: {  	_ =	shalt  }
0x70: {  	_ =	shalt  }
0x71: {  	_ =	shalt  }
0x72: {  	_ =	shalt  }
0x73: {  	_ =	shalt  }
0x74: {  	_ =	shalt  }
0x75: {  	_ =	shalt  }
0x76: {  	_ =	shalt  }
0x77: {  	_ =	shalt  }
0x78: {  	_ =	shalt  }
0x79: {  	_ =	shalt  }
0x7a: {  	_ =	shalt  }
0x7b: {  	_ =	shalt  }
0x7c: {  	_ =	shalt  }
0x7d: {  	_ =	shalt  }
0x7e: {  	_ =	shalt  }
0x7f: {  	_ =	shalt  }
0x80: {  	_ =	shalt  }
0x81: {  	_ =	shalt  }
0x82: {  	_ =	shalt  }
0x83: {  	_ =	shalt  }
0x84: {  	_ =	shalt  }
0x85: {  	_ =	shalt  }
0x86: {  	_ =	shalt  }
0x87: {  	_ =	shalt  }
.Lfunc_end0:
.L_simem_size_0:
called_computation.1_lowered:
.L_overlay_start_0:
0x88: {  	s2 =	sld [smem:$0x3FD9]  }
0x89: {  	s3 =	sld [smem:$0x3FFE];
	_ =	sdelay $0x1  }
0x8a: {  	s1 =	srdreg.scid  }
0x8b: {  	s0 =	sand.u32 $0x1, s1  }
0x8c: {  	s17 =	sshll.u32 s0, $0xA;
	s2 =	sadd.s32 s3, s2  }
0x8d: {  	s2 =	sadd.s32 s2, s17  }
0x8e: {  	[smem:$0x3FC2] =	sst s2  }
0x8f: {  	_ = 	snop  }
0x90: {  	s2 =	sld [smem:$0x3FD0];
	(tm) =	ssettm $0x1  }
0x91: {  	s18 =	sld [smem:$0x3FFB];
	_ =	sdelay $0x3  }
0x92: {  	_ =	strace s18  }
0x93: {  	s3 =	sld [smem:$0x3FFC];
	_ =	sdelay $0x3  }
0x94: {  	_ =	strace s3  }
0x95: {  	s3 =	sld [smem:$0x3FFD];
	_ =	sdelay $0x3  }
0x96: {  	_ =	strace s3  }
0x97: {  	_ =	strace $0x8FFFFFFF  }
0x98: {  	s19 =	sld [smem:$0x3FDB];
	_ =	sdelay $0x1  }
0x99: {  	s4 =	simm.s32 $_scs_section_size  }
0x9a: {  	s5 =	simm.s32 $_size__tile_overlayer_lowered;
	s6 =	simm.s32 $_tile_overlayer_lowered  }
0x9b: {  	s22 =	simm.s32 $0x1BFF;
	s21 =	sshll.u32 s6, $0x1;
	s3 =	sadd.s32 s4, s19  }
0x9c: {  	s7 =	simm.s32 $0x0;
	s20 =	sshll.u32 s5, $0x1;
	s5 =	sadd.s32 s21, s3  }
0x9d: {  	[timem:s7], [sflag:s22] =	dma.local [hbm:s5], s20  }
0x9e: {  	_ =	swait.ge [sflag:s22], s20  }
0x9f: {  	s4 =	ssub.s32 $0x0, s20;
	[sflag:s22] =	ssyncset.done $0x0  }
0xa0: {  	[sflag:s22] =	ssyncadd.s32 s4;
	_ =	sdelay $0x1  }
0xa1: {  	s23 =	simm.s32 $0x1B8B  }
0xa2: {  	_ =	swait.ge [sflag:s23], $0x1  }
0xa3: {  	[sflag:s23] =	ssyncset.done $0x0  }
0xa4: {  	s25 =	simm.s32 $0x1B8E;
	s24 =	sld [smem:$0x3FFE];
	[sflag:s23] =	ssyncadd.s32 $0xFFFFFFFF  }
0xa5: {  	s26 =	simm.s32 $execute0_lowered;
	[smem:$0x3FD2] =	sst s25  }
0xa6: {  	s5 =	sshll.u32 s26, $0x1;
	_ =	strace $0x80000049;
	[dreg:$0x1] =	wrdreg $0xFFFFFFFF  }
0xa7: {  	s28 =	simm.s32 $_size_execute0_lowered;
	s3 =	sadd.s32 s3, s5;
	[dreg:$0x0] =	wrdreg $0x0  }
0xa8: {  	s5 =	sshll.u32 s28, $0x1;
	[dreg:$0x2] =	wrdreg s3  }
0xa9: {  	[dreg:$0x3] =	wrdreg s5  }
0xaa: {  	[dreg:$0x4] =	wrdreg $0xC0  }
0xab: {  	_ =	task [dreg:s7], $0x5FFFF  }
0xac: {  	[dreg:$0x1] =	wrdreg $0xFFFFFFFF  }
0xad: {  	[dreg:$0x0] =	wrdreg $0x60  }
0xae: {  	[dreg:$0x2] =	wrdreg s2  }
0xaf: {  	[dreg:$0x3] =	wrdreg s24  }
0xb0: {  	[dreg:$0x4] =	wrdreg $0x82000  }
0xb1: {  	[dreg:$0x5] =	wrdreg $0x9  }
0xb2: {  	_ =	task.clear_ibuf [dreg:s7], $0x6FFFF;
	_ =	strace $0x90000049  }
0xb3: {  	s29 =	simm.s32 $0x9;
	_ =	strace $0x8000004B  }
0xb4: {  	_ =	swait.ge [sflag:s29], $0x1  }
0xb5: {  	[sflag:s29] =	ssyncadd.s32 $0xFFFFFFFF  }
0xb6: {  	_ =	strace $0x9000004B  }
0xb7: {  	_ =	sfence  }
0xb8: {  	s30 =	sld [smem:$0x0];
	_ =	sdelay $0x2  }
0xb9: {  	s31 =	sshll.u32 s1, $0xD;
	s1 =	sshrl.u32 s1, $0x2  }
0xba: {  	s3 =	sand.u32 $0x4000, s31;
	s1 =	sadd.s32 s1, s30  }
0xbb: {  	s0 =	sor.u32 s3, s0;
	s1 =	sshll.u32 s1, $0x11  }
0xbc: {  	s0 =	sor.u32 s1, s0  }
0xbd: {  	s0 =	sadd.s32 $0x8F2B, s0  }
0xbe: {  	[sflag:s0] =	ssyncadd.remote.s32 $0x1  }
0xbf: {  	_ =	sfence.sel $0xFFFF  }
0xc0: {  	[dreg:$0x0] =	wrdreg $0xFFFFFFFF;
	(pc) =	sbr.abs _section_cstart, $3  }
0xc1: {  	[dreg:$0x1] =	wrdreg $0xFFFFFFFF  }
0xc2: {  	_ =	task.clear_ibuf [dreg:s7], $0x2FFFF;
	_ =	strace $0x9FFFFFFF  }
0xc3: {  	(tm) =	ssettm $0x7FFFFFFF  }
tec
execute0_lowered:
.L_overlay_start_1:
0x0: {  	(tag) =	ssettag $0x1  }
0x1: {  	s10 =	rddreg [dreg:$0x0]  }
0x2: {  	s6 =	rddreg [dreg:$0x1]  }
0x3: {  	s2 =	rddreg [dreg:$0x2];
	s0 =	stileid.u32  }
0x4: {  	s3 =	srdreg.scid;
	s1 =	rddreg [dreg:$0x3]  }
0x5: {  	s15 =	simm.s32 $0x3B;
	s16 =	simm.s32 $0x200;
	s17 =	simm.s32 $0x3  }
0x6: {  	s18 =	simm.s32 $0x80;
	s19 =	simm.s32 $0x100;
	s4 =	smul.u32 $0x28, s0  }
0x7: {  	s20 =	simm.s32 $0x180;
	s21 =	simm.s32 $0x4200;
	s7 =	smul.u32 $0x76, s0  }
0x8: {  	s22 =	simm.s32 $0x1;
	s23 =	simm.s32 $0x2;
	s28 =	smul.u32 $0x13C00, s0  }
0x9: {  	s24 =	simm.s32 $0x0;
	s5 =	sand.u32 $0x1, s3;
	s9 =	smul.u32 $0x4F000, s0  }
0xa: {  	s3 =	simm.s32 $0x0;
	p0 =	seq.s32 s5, $0x0;
	s8 =	smul.u32 $0x13C000, s5  }
0xb: {  	[smem:$0x7FF] =	sst s3;
	s29 =	ssub.s32 $0x2, s5;
	s4 =	sadd.s32 $0x760, s4  }
0xc: {  	_ =	strace $0x8000004A;
	s30 =	sshrl.u32 s9, $0x2;
	s31 =	sshrl.u32 s29, $0x1  }
0xd: {  	s15 =	simm.s32 @!p0 $0x14;
	s4 =	smov.u32 @p0 s7;
	s7 =	sadd.s32 s28, s8  }
0xe: {  	s5 =	sadd.s32 s30, s2;
	s14 =	ssub.s32 s29, s31;
	s11 =	sshll.u32 s4, $0x4  }
0xf: {  	s4 =	sadd.s32 $0x6A000, s6;
	s7 =	sshrl.u32 s7, $0x3;
	s8 =	sadd.s32 $0xC000, s5  }
0x10: {  	s9 =	sadd.s32 $0x10000, s5;
	s14 =	smax.u32 s14, $0x1;
	s12 =	sadd.s32 s11, s6  }
0x11: {  	s13 =	sadd.s32 s7, s6;
	s6 =	sadd.s32 $0x4000, s5;
	s10 =	sadd.s32 s10, s11  }
0x12: {  	s11 =	sadd.s32 $0x11200, s12;
	s12 =	sadd.s32 $0xFFFFFFFF, s15;
	s15 =	sshll.u32 s15, $0x5  }
0x13: {  	v0 =	vimm.f32 $0.0e+00;
	s7 =	sadd.s32 $0x8000, s5;
	s13 =	sadd.s32 $0x91800, s13;
	s15 =	sadd.s32 $0xFFFFFFE0, s15  }
.LBB2_1:
0x14: {  	s25 =	simm.s32 $0x0;
	s26 =	simm.s32 $0x200  }
.LBB2_2:
0x15: {  	p0 =	sne.s32 s26, $0xFE00;
	[tilespmem:s25+$0x270] =	vst v0  }
0x16: {  	[tilespmem:s25+$0x200] =	vst v0  }
0x17: {  	[tilespmem:s25+$0x210] =	vst v0  }
.Ltmp0:
0x18: {  	[tilespmem:s25+$0x220] =	vst v0;
	(pc) =	sbr.rel @p0 .LBB2_2-.Ltmp0, $4  }
0x19: {  	[tilespmem:s25+$0x230] =	vst v0  }
0x1a: {  	[tilespmem:s25+$0x240] =	vst v0  }
0x1b: {  	[tilespmem:s25+$0x250] =	vst v0  }
0x1c: {  	[tilespmem:s25+$0x260] =	vst v0;
	s25 =	sshra.s32 s26, $0x2;
	s26 =	sadd.s32 $0x200, s26  }
0x1d: {  	[tilespmem:s25+$0x270] =	vst v0  }
0x1e: {  	[tilespmem:s25+$0x200] =	vst v0  }
0x1f: {  	[tilespmem:s25+$0x210] =	vst v0  }
0x20: {  	[tilespmem:s25+$0x220] =	vst v0  }
0x21: {  	[tilespmem:s25+$0x230] =	vst v0  }
0x22: {  	[tilespmem:s25+$0x240] =	vst v0  }
0x23: {  	[tilespmem:s25+$0x250] =	vst v0  }
0x24: {  	[tilespmem:s25+$0x260] =	vst v0  }
0x25: {  	[spmem:s5] =	stream.linear.scatter [tilespmem:s16], [sflag:$0x3], $0x4000, $0x38;
	[tilespmem:$0x1BE00] =	vst v63  }
0x26: {  	_ =	swait.ge [sflag:s17], $0x4000  }
0x27: {  	[sflag:s17] =	ssyncset.done $0x0  }
0x28: {  	[sflag:s17] =	ssyncadd.s32 $0xFFFFC000  }
0x29: {  	[spmem:s6] =	stream.linear.scatter [tilespmem:s16], [sflag:$0x3], $0x4000, $0x38;
	[tilespmem:$0x1BE00] =	vst v63  }
0x2a: {  	_ =	swait.ge [sflag:s17], $0x4000  }
0x2b: {  	[sflag:s17] =	ssyncset.done $0x0  }
0x2c: {  	[sflag:s17] =	ssyncadd.s32 $0xFFFFC000  }
0x2d: {  	[spmem:s7] =	stream.linear.scatter [tilespmem:s16], [sflag:$0x3], $0x4000, $0x38;
	[tilespmem:$0x1BE00] =	vst v63  }
0x2e: {  	_ =	swait.ge [sflag:s17], $0x4000  }
0x2f: {  	[sflag:s17] =	ssyncset.done $0x0  }
0x30: {  	[sflag:s17] =	ssyncadd.s32 $0xFFFFC000  }
0x31: {  	[spmem:s8] =	stream.linear.scatter [tilespmem:s16], [sflag:$0x3], $0x4000, $0x38;
	[tilespmem:$0x1BE00] =	vst v63  }
0x32: {  	_ =	swait.ge [sflag:s17], $0x4000  }
0x33: {  	[sflag:s17] =	ssyncset.done $0x0  }
0x34: {  	[sflag:s17] =	ssyncadd.s32 $0xFFFFC000  }
0x35: {  	[spmem:s9] =	stream.linear.scatter [tilespmem:s16], [sflag:$0x3], $0x3C00, $0x38;
	[tilespmem:$0x1BE00] =	vst v63  }
0x36: {  	_ =	swait.ge [sflag:s17], $0x3C00  }
0x37: {  	[sflag:s17] =	ssyncset.done $0x0  }
0x38: {  	[sflag:s17] =	ssyncadd.s32 $0xFFFFC400  }
0x39: {  	s30 =	simm.s32 $0x0;
	[bflag:$0x0] =	sbarrier.arrive $0xFFFF  }
0x3a: {  	[tilespmem:s30], [sflag:$0x3] =	stream.linear.gather [hbm4b:s10+s30], $0x80, $0x38;
	[tilespmem:$0x1BE00] =	vst v63  }
0x3b: {  	_ =	swait.ge [sflag:s17], $0x80  }
0x3c: {  	[sflag:s17] =	ssyncset.done $0x0  }
0x3d: {  	p1 =	sne.s32 s15, $0x20;
	[sflag:s17] =	ssyncadd.s32 $0xFFFFFF80  }
0x3e: {  	[tilespmem:s18], [sflag:$0x3] =	stream.linear.gather [hbm4b:s11+s30], $0x80, $0x38;
	[tilespmem:$0x1BE00] =	vst v63  }
.Ltmp1:
0x3f: {  	_ = 	snop;
	(pc) =	sbr.rel @!p1 .LBB2_4-.Ltmp1, $4  }
0x40: {  	_ =	swait.ge [sflag:s17], $0x80  }
0x41: {  	s28 =	simm.s32 $0x20;
	[sflag:s17] =	ssyncset.done $0x0  }
0x42: {  	s29 =	sadd.s32 $0x0, s10;
	p0 =	por $0x0, $0x0;
	[sflag:s17] =	ssyncadd.s32 $0xFFFFFF80  }
0x43: {  	[tilespmem:s16], [sflag:$0x1] =	stream.indirect.gather [hbm4b:s4+s18], $0x80, s30, s18, $0xb8;
	[tilespmem:$0x1BE00] =	vst v63  }
0x44: {  	s25 =	sadd.s32 $0x10, s29  }
0x45: {  	[tilespmem:s19], [sflag:$0x3] =	stream.linear.gather [hbm4b:s25+s3], $0x80, $0x38;
	[tilespmem:$0x1BE00] =	vst v63  }
0x46: {  	_ =	swait.ge [sflag:s17], $0x80  }
0x47: {  	s30 =	sadd.s32 $0x0, s11;
	[sflag:s17] =	ssyncset.done $0x0  }
0x48: {  	s26 =	sadd.s32 $0x10, s30;
	[sflag:s17] =	ssyncadd.s32 $0xFFFFFF80  }
0x49: {  	[tilespmem:s20], [sflag:$0x3] =	stream.linear.gather [hbm4b:s26+s3], $0x80, $0x38;
	[tilespmem:$0x1BE00] =	vst v63  }
0x4a: {  	_ =	swait.ge [sflag:s17], $0x80  }
0x4b: {  	[sflag:s17] =	ssyncset.done $0x0  }
0x4c: {  	[sflag:s17] =	ssyncadd.s32 $0xFFFFFF80  }
0x4d: {  	[tilespmem:s21], [sflag:$0x2] =	stream.indirect.gather [hbm4b:s4+s18], $0x80, s19, s18, $0xb8;
	[tilespmem:$0x1BE00] =	vst v63  }
0x4e: {  	_ =	swait.ge [sflag:s22], $0x4000  }
0x4f: {  	[sflag:s22] =	ssyncset.done $0x0  }
0x50: {  	[sflag:s22] =	ssyncadd.s32 $0xFFFFC000  }
0x51: {  	[spmem:s2] =	stream.indirect.scatter.add.f32 [tilespmem:s16], [sflag:$0x3], $0x80, s18, s18, $0xb8;
	[tilespmem:$0x1BE00] =	vst v63  }
0x52: {  	_ =	swait.ge [sflag:s17], $0x4000  }
0x53: {  	[sflag:s17] =	ssyncset.done $0x0  }
0x54: {  	s31 =	sadd.s32 $0x20, s29;
	[sflag:s17] =	ssyncadd.s32 $0xFFFFC000  }
0x55: {  	[tilespmem:s3], [sflag:$0x3] =	stream.linear.gather [hbm4b:s31+s3], $0x80, $0x38;
	[tilespmem:$0x1BE00] =	vst v63  }
0x56: {  	_ =	swait.ge [sflag:s17], $0x80  }
0x57: {  	[sflag:s17] =	ssyncset.done $0x0  }
0x58: {  	s25 =	sadd.s32 $0x20, s30;
	[sflag:s17] =	ssyncadd.s32 $0xFFFFFF80  }
0x59: {  	[tilespmem:s18], [sflag:$0x3] =	stream.linear.gather [hbm4b:s25+s3], $0x80, $0x38;
	[tilespmem:$0x1BE00] =	vst v63  }
0x5a: {  	_ =	swait.ge [sflag:s17], $0x80  }
0x5b: {  	[sflag:s17] =	ssyncset.done $0x0  }
0x5c: {  	[sflag:s17] =	ssyncadd.s32 $0xFFFFFF80  }
0x5d: {  	[tilespmem:s16], [sflag:$0x1] =	stream.indirect.gather [hbm4b:s4+s18], $0x80, s3, s18, $0xb8;
	[tilespmem:$0x1BE00] =	vst v63  }
0x5e: {  	p1 =	sne.s32 s15, $0x40;
	_ =	swait.ge [sflag:s23], $0x4000  }
.Ltmp2:
0x5f: {  	[sflag:s23] =	ssyncset.done $0x0;
	(pc) =	sbr.rel @!p1 .LBB2_6-.Ltmp2, $4  }
0x60: {  	[sflag:s23] =	ssyncadd.s32 $0xFFFFC000  }
0x61: {  	[spmem:s2] =	stream.indirect.scatter.add.f32 [tilespmem:s21], [sflag:$0x3], $0x80, s20, s18, $0xb8;
	[tilespmem:$0x1BE00] =	vst v63  }
0x62: {  	s29 =	sadd.s32 $0x20, s10;
	p0 =	por $0x1, $0x1;
	_ =	swait.ge [sflag:s17], $0x4000  }
0x63: {  	s26 =	simm.s32 $0x1;
	s25 =	simm.s32 $0x40;
	[sflag:s17] =	ssyncset.done $0x0  }
.LBB2_7:
0x64: {  	s30 =	sadd.s32 $0x10, s29  }
0x65: {  	[sflag:s17] =	ssyncadd.s32 $0xFFFFC000;
	s31 =	smov.u32 s25;
	s25 =	sadd.s32 $0x20, s25  }
0x66: {  	[tilespmem:s19], [sflag:$0x3] =	stream.linear.gather [hbm4b:s30+s3], $0x80, $0x38;
	[tilespmem:$0x1BE00] =	vst v63  }
0x67: {  	p1 =	sne.s32 s15, s25;
	_ =	swait.ge [sflag:s17], $0x80  }
0x68: {  	s30 =	sadd.s32 s28, s11;
	s28 =	smov.u32 s31;
	[sflag:s17] =	ssyncset.done $0x0  }
0x69: {  	s31 =	sadd.s32 $0x10, s30;
	[sflag:s17] =	ssyncadd.s32 $0xFFFFFF80  }
0x6a: {  	[tilespmem:s20], [sflag:$0x3] =	stream.linear.gather [hbm4b:s31+s3], $0x80, $0x38;
	[tilespmem:$0x1BE00] =	vst v63  }
0x6b: {  	_ =	swait.ge [sflag:s17], $0x80  }
0x6c: {  	[sflag:s17] =	ssyncset.done $0x0  }
0x6d: {  	[sflag:s17] =	ssyncadd.s32 $0xFFFFFF80  }
0x6e: {  	[tilespmem:s21], [sflag:$0x2] =	stream.indirect.gather [hbm4b:s4+s18], $0x80, s19, s18, $0xb8;
	[tilespmem:$0x1BE00] =	vst v63  }
0x6f: {  	_ =	swait.ge [sflag:s22], $0x4000  }
0x70: {  	[sflag:s22] =	ssyncset.done $0x0  }
0x71: {  	[sflag:s22] =	ssyncadd.s32 $0xFFFFC000  }
0x72: {  	[spmem:s2] =	stream.indirect.scatter.add.f32 [tilespmem:s16], [sflag:$0x3], $0x80, s18, s18, $0xb8;
	[tilespmem:$0x1BE00] =	vst v63  }
0x73: {  	_ =	swait.ge [sflag:s17], $0x4000  }
0x74: {  	[sflag:s17] =	ssyncset.done $0x0  }
0x75: {  	s29 =	sadd.s32 $0x20, s29;
	[sflag:s17] =	ssyncadd.s32 $0xFFFFC000  }
0x76: {  	[tilespmem:s3], [sflag:$0x3] =	stream.linear.gather [hbm4b:s29+s3], $0x80, $0x38;
	[tilespmem:$0x1BE00] =	vst v63  }
0x77: {  	_ =	swait.ge [sflag:s17], $0x80  }
0x78: {  	[sflag:s17] =	ssyncset.done $0x0  }
0x79: {  	s29 =	sadd.s32 $0x20, s30;
	[sflag:s17] =	ssyncadd.s32 $0xFFFFFF80  }
0x7a: {  	[tilespmem:s18], [sflag:$0x3] =	stream.linear.gather [hbm4b:s29+s3], $0x80, $0x38;
	[tilespmem:$0x1BE00] =	vst v63  }
0x7b: {  	_ =	swait.ge [sflag:s17], $0x80  }
0x7c: {  	[sflag:s17] =	ssyncset.done $0x0  }
0x7d: {  	[sflag:s17] =	ssyncadd.s32 $0xFFFFFF80  }
0x7e: {  	[tilespmem:s16], [sflag:$0x1] =	stream.indirect.gather [hbm4b:s4+s18], $0x80, s3, s18, $0xb8;
	[tilespmem:$0x1BE00] =	vst v63  }
0x7f: {  	_ =	swait.ge [sflag:s23], $0x4000  }
.Ltmp3:
0x80: {  	[sflag:s23] =	ssyncset.done $0x0;
	(pc) =	sbr.rel @p1 .LBB2_7-.Ltmp3, $4  }
0x81: {  	[sflag:s23] =	ssyncadd.s32 $0xFFFFC000  }
0x82: {  	[spmem:s2] =	stream.indirect.scatter.add.f32 [tilespmem:s21], [sflag:$0x3], $0x80, s20, s18, $0xb8;
	[tilespmem:$0x1BE00] =	vst v63  }
0x83: {  	_ =	swait.ge [sflag:s17], $0x4000  }
0x84: {  	s26 =	sadd.s32 $0x1, s26;
	s29 =	sadd.s32 s28, s10;
	[sflag:s17] =	ssyncset.done $0x0  }
0x85: {  	s30 =	smov.u32 s28  }
.LBB2_9:
0x86: {  	s28 =	sadd.s32 $0x10, s29;
	[sflag:s17] =	ssyncadd.s32 @p0 $0xFFFFC000  }
0x87: {  	[tilespmem:s19], [sflag:$0x3] =	stream.linear.gather [hbm4b:s28+s3], $0x80, $0x38;
	[tilespmem:$0x1BE00] =	vst v63  }
0x88: {  	_ =	swait.ge [sflag:s17], $0x80  }
0x89: {  	s31 =	sadd.s32 s30, s11;
	[sflag:s17] =	ssyncset.done $0x0  }
0x8a: {  	s30 =	sadd.s32 $0x10, s31;
	[sflag:s17] =	ssyncadd.s32 $0xFFFFFF80  }
0x8b: {  	[tilespmem:s20], [sflag:$0x3] =	stream.linear.gather [hbm4b:s30+s3], $0x80, $0x38;
	[tilespmem:$0x1BE00] =	vst v63  }
0x8c: {  	_ =	swait.ge [sflag:s17], $0x80  }
0x8d: {  	[sflag:s17] =	ssyncset.done $0x0  }
0x8e: {  	[sflag:s17] =	ssyncadd.s32 $0xFFFFFF80  }
0x8f: {  	[tilespmem:s21], [sflag:$0x2] =	stream.indirect.gather [hbm4b:s4+s18], $0x80, s19, s18, $0xb8;
	[tilespmem:$0x1BE00] =	vst v63  }
0x90: {  	_ =	swait.ge [sflag:s22], $0x4000  }
0x91: {  	[sflag:s22] =	ssyncset.done $0x0  }
0x92: {  	[sflag:s22] =	ssyncadd.s32 $0xFFFFC000  }
0x93: {  	[spmem:s2] =	stream.indirect.scatter.add.f32 [tilespmem:s16], [sflag:$0x3], $0x80, s18, s18, $0xb8;
	[tilespmem:$0x1BE00] =	vst v63  }
0x94: {  	_ =	swait.ge [sflag:s17], $0x4000  }
0x95: {  	[sflag:s17] =	ssyncset.done $0x0  }
0x96: {  	s30 =	sadd.s32 $0x20, s29;
	[sflag:s17] =	ssyncadd.s32 $0xFFFFC000  }
0x97: {  	[tilespmem:s3], [sflag:$0x3] =	stream.linear.gather [hbm4b:s30+s3], $0x80, $0x38;
	[tilespmem:$0x1BE00] =	vst v63  }
0x98: {  	_ =	swait.ge [sflag:s17], $0x80  }
0x99: {  	[sflag:s17] =	ssyncset.done $0x0  }
0x9a: {  	s28 =	sadd.s32 $0x20, s31;
	[sflag:s17] =	ssyncadd.s32 $0xFFFFFF80  }
0x9b: {  	[tilespmem:s18], [sflag:$0x3] =	stream.linear.gather [hbm4b:s28+s3], $0x80, $0x38;
	[tilespmem:$0x1BE00] =	vst v63  }
0x9c: {  	_ =	swait.ge [sflag:s17], $0x80  }
0x9d: {  	[sflag:s17] =	ssyncset.done $0x0  }
0x9e: {  	[sflag:s17] =	ssyncadd.s32 $0xFFFFFF80  }
0x9f: {  	[tilespmem:s16], [sflag:$0x1] =	stream.indirect.gather [hbm4b:s4+s18], $0x80, s3, s18, $0xb8;
	[tilespmem:$0x1BE00] =	vst v63  }
0xa0: {  	_ =	swait.ge [sflag:s23], $0x4000  }
0xa1: {  	[sflag:s23] =	ssyncset.done $0x0  }
0xa2: {  	[sflag:s23] =	ssyncadd.s32 $0xFFFFC000  }
0xa3: {  	[spmem:s2] =	stream.indirect.scatter.add.f32 [tilespmem:s21], [sflag:$0x3], $0x80, s20, s18, $0xb8;
	[tilespmem:$0x1BE00] =	vst v63  }
0xa4: {  	_ =	swait.ge [sflag:s17], $0x4000  }
0xa5: {  	s31 =	sadd.s32 s25, s10;
	[sflag:s17] =	ssyncset.done $0x0  }
0xa6: {  	s28 =	sadd.s32 $0x10, s31;
	[sflag:s17] =	ssyncadd.s32 $0xFFFFC000  }
0xa7: {  	[tilespmem:s19], [sflag:$0x3] =	stream.linear.gather [hbm4b:s28+s3], $0x80, $0x38;
	[tilespmem:$0x1BE00] =	vst v63  }
0xa8: {  	_ =	swait.ge [sflag:s17], $0x80  }
0xa9: {  	s29 =	sadd.s32 s25, s11;
	[sflag:s17] =	ssyncset.done $0x0  }
0xaa: {  	s28 =	sadd.s32 $0x10, s29;
	[sflag:s17] =	ssyncadd.s32 $0xFFFFFF80  }
0xab: {  	[tilespmem:s20], [sflag:$0x3] =	stream.linear.gather [hbm4b:s28+s3], $0x80, $0x38;
	[tilespmem:$0x1BE00] =	vst v63  }
0xac: {  	_ =	swait.ge [sflag:s17], $0x80  }
0xad: {  	[sflag:s17] =	ssyncset.done $0x0  }
0xae: {  	[sflag:s17] =	ssyncadd.s32 $0xFFFFFF80  }
0xaf: {  	[tilespmem:s21], [sflag:$0x2] =	stream.indirect.gather [hbm4b:s4+s18], $0x80, s19, s18, $0xb8;
	[tilespmem:$0x1BE00] =	vst v63  }
0xb0: {  	_ =	swait.ge [sflag:s22], $0x4000  }
0xb1: {  	[sflag:s22] =	ssyncset.done $0x0  }
0xb2: {  	s26 =	sadd.s32 $0x1, s26;
	[sflag:s22] =	ssyncadd.s32 $0xFFFFC000  }
0xb3: {  	[spmem:s2] =	stream.indirect.scatter.add.f32 [tilespmem:s16], [sflag:$0x3], $0x80, s18, s18, $0xb8;
	[tilespmem:$0x1BE00] =	vst v63  }
0xb4: {  	p0 =	sge.u32 s26, s12;
	_ =	swait.ge [sflag:s17], $0x4000  }
0xb5: {  	s26 =	sadd.s32 @!p0 s25, s10;
	[sflag:s17] =	ssyncset.done $0x0  }
0xb6: {  	s26 =	sadd.s32 @!p0 $0x20, s26;
	s28 =	simm.s32 @!p0 $0x0;
	[sflag:s17] =	ssyncadd.s32 $0xFFFFC000  }
0xb7: {  	[tilespmem:s28], [sflag:$0x3] =	stream.linear.gather @!p0 [hbm4b:s26+s28], $0x80, $0x38;
	[tilespmem:$0x1BE00] =	vst v63  }
0xb8: {  	s26 =	simm.s32 @!p0 $0x3  }
0xb9: {  	_ =	swait.ge @!p0 [sflag:s26], $0x80  }
0xba: {  	s25 =	sadd.s32 @!p0 s25, s11;
	[sflag:s26] =	ssyncset.done @!p0 $0x0  }
0xbb: {  	s25 =	sadd.s32 @!p0 $0x20, s25;
	s29 =	simm.s32 @!p0 $0x80;
	[sflag:s26] =	ssyncadd.s32 @!p0 $0xFFFFFF80  }
0xbc: {  	[tilespmem:s29], [sflag:$0x3] =	stream.linear.gather @!p0 [hbm4b:s25+s28], $0x80, $0x38;
	[tilespmem:$0x1BE00] =	vst v63  }
0xbd: {  	_ =	swait.ge @!p0 [sflag:s26], $0x80  }
0xbe: {  	[sflag:s26] =	ssyncset.done @!p0 $0x0  }
0xbf: {  	s25 =	simm.s32 @!p0 $0x200;
	[sflag:s26] =	ssyncadd.s32 @!p0 $0xFFFFFF80  }
0xc0: {  	[tilespmem:s25], [sflag:$0x1] =	stream.indirect.gather @!p0 [hbm4b:s4+s29], $0x80, s28, s29, $0xb8;
	[tilespmem:$0x1BE00] =	vst v63  }
0xc1: {  	_ =	swait.ge [sflag:s23], $0x4000  }
0xc2: {  	[sflag:s23] =	ssyncset.done $0x0  }
0xc3: {  	[sflag:s23] =	ssyncadd.s32 $0xFFFFC000  }
0xc4: {  	[spmem:s2] =	stream.indirect.scatter.add.f32 [tilespmem:s21], [sflag:$0x3], $0x80, s20, s18, $0xb8;
	[tilespmem:$0x1BE00] =	vst v63  }
0xc5: {  	_ =	swait.ge [sflag:s17], $0x4000  }
0xc6: {  	s24 =	sadd.s32 $0x1, s24;
	[sflag:s17] =	ssyncset.done $0x0  }
0xc7: {  	s30 =	sshll.u32 s0, $0x6;
	s31 =	sshrl.u32 s5, $0x3;
	[sflag:s17] =	ssyncadd.s32 $0xFFFFC000  }
0xc8: {  	s25 =	sor.u32 $0x1C03, s30;
	p0 =	sne.s32 s24, s14;
	[bflag:$0x0] =	sbarrier.arrive $0xFFFF  }
0xc9: {  	[hbm:s13], [sflag:s25] =	dma.local [spmem:s31], $0x2780  }
.Ltmp4:
0xca: {  	_ = 	snop;
	(pc) =	sbr.rel @p0 .LBB2_1-.Ltmp4, $4  }
.Ltmp5:
0xcb: {  	_ = 	snop;
	(pc) =	sbr.rel @!p0 .LBB2_10-.Ltmp5, $4  }
0xcc: {  	_ =	swait.ge [sflag:s17], $0x2780  }
0xcd: {  	[sflag:s17] =	ssyncset.done $0x0  }
0xce: {  	[sflag:s17] =	ssyncadd.s32 $0xFFFFD880  }
0xcf: {  	_ = 	snop  }
.LBB2_4:
.Ltmp6:
0xd0: {  	(pc) =	sbr.rel .LBB2_9-.Ltmp6, $2  }
0xd1: {  	_ =	sdelay $0x2  }
0xd2: {  	s25 =	simm.s32 $0x20;
	s26 =	simm.s32 $0x0  }
.LBB2_6:
.Ltmp7:
0xd3: {  	(pc) =	sbr.rel .LBB2_9-.Ltmp7, $2  }
0xd4: {  	_ =	sdelay $0x2  }
0xd5: {  	s30 =	simm.s32 $0x20  }
.LBB2_10:
0xd6: {  	_ =	sfence.sel $0x180000  }
0xd7: {  	[bflag:$0x0] =	sbarrier.arrive $0xFFFF  }
0xd8: {  	p0 =	sne.s32 s0, $0x0;
	_ =	strace $0x9000004A  }
0xd9: {  	s0 =	sadd.s32 @!p0 $0x100000, s1;
	[bflag:$0x2] =	sbarrier.arrive $0xFFFF  }
0xda: {  	[sflag:s0] =	ssyncadd.tile.s32 @!p0 $0x1;
	_ =	shalt  }
.Lfunc_end2:
_tile_overlayer_lowered:
.L_overlay_start_2:
0xdb: {  	(tag) =	ssettag $0x2  }
0xdc: {  	s0 =	rddreg [dreg:$0x0];
	s2 =	stileid.u32  }
0xdd: {  	s1 =	rddreg [dreg:$0x1];
	p0 =	sne.s32 s2, $0x0  }
0xde: {  	s3 =	rddreg [dreg:$0x2];
	[bflag:$0x3] =	sbarrier.arrive $0xFFFF;
	s2 =	simm.s32 @!p0 $0x1C03  }
0xdf: {  	[timem:s3], [sflag:s2] =	dma.local @!p0 [hbm:s0], s1  }
0xe0: {  	s0 =	simm.s32 @!p0 $0x3  }
0xe1: {  	_ =	swait.ge @!p0 [sflag:s0], s1  }
0xe2: {  	s1 =	ssub.s32 @!p0 $0x0, s1;
	[sflag:s0] =	ssyncset.done @!p0 $0x0  }
0xe3: {  	[sflag:s0] =	ssyncadd.s32 @!p0 s1  }
0xe4: {  	[bflag:$0x3] =	sbarrier.arrive $0xFFFF  }
0xe5: {  	_ =	shalt  }

// kernel: kernel.7.cloned.1.call-start
scs
__scs_entry_jumppad:
0x0: {  	(pc) =	sbr.rel $0x88, $3  }
0x1: {  	(tag) =	ssettag $0x0;
	lr =	simm.s32 $0x1  }
0x2: {  	[smem:$0x3F9B] =	sst lr;
	_ =	strace $0xD0000000  }
0x3: {  	_ = 	snop  }
0x4: {  	_ = 	snop  }
0x5: {  	_ = 	snop  }
0x6: {  	_ = 	snop  }
0x7: {  	_ = 	snop  }
__scs_overlays_trampoline_lowered:
0x8: {  	[smem:$0x3FAA] =	sst s0  }
0x9: {  	[smem:$0x3FAB] =	sst s1  }
0xa: {  	[smem:$0x3FAC] =	sst s2  }
0xb: {  	[smem:$0x3FAD] =	sst s3  }
0xc: {  	[smem:$0x3FAE] =	sst s4  }
0xd: {  	[smem:$0x3FAF] =	sst s5  }
0xe: {  	[smem:$0x3FB0] =	sst s6  }
0xf: {  	[smem:$0x3FB1] =	sst s7  }
0x10: {  	[smem:$0x3FB2] =	sst s8  }
0x11: {  	[smem:$0x3FB3] =	sst s9;
	s0 =	simm.s32 @!p0 $0x0  }
0x12: {  	s1 =	sld [smem:$0x3F99];
	s0 =	simm.s32 @p0 $0x1  }
0x13: {  	[smem:$0x3FB4] =	sst s0;
	s0 =	simm.s32 @!p1 $0x0  }
0x14: {  	s2 =	sld [smem:$0x3F98];
	s0 =	simm.s32 @p1 $0x1  }
0x15: {  	[smem:$0x3FB5] =	sst s0;
	s0 =	simm.s32 @!p2 $0x0  }
0x16: {  	s3 =	sld [smem:$0x3FDB];
	s0 =	simm.s32 @p2 $0x1  }
0x17: {  	s4 =	simm.s32 $0x1BF5;
	[smem:$0x3FB7] =	sst s0  }
0x18: {  	s0 =	sld [smem:$0x3F9A];
	_ =	swait.ge [sflag:s4], $0x0  }
0x19: {  	s7 =	sld [smem:$0x3F9B]  }
0x1a: {  	s8 =	sadd.s32 $0xFFFFE003, lr  }
0x1b: {  	s9 =	sadd.s32 $0xFFFFFEF7, lr;
	s5 =	simm.s32 $0xFFFFFFFF;
	p2 =	slt.u32 s8, $0xFFFFF086  }
0x1c: {  	p1 =	slt.u32 s9, $0xF7A;
	s5 =	simm.s32 @!p2 $0x0  }
0x1d: {  	s5 =	simm.s32 @p1 $0x1;
	p0 =	seq.s32 s7, s2  }
0x1e: {  	s7 =	smul.u32 @!p0 $0xF7A, s2;
	p2 =	seq.s32 @!p0 s5, $0x0  }
0x1f: {  	s9 =	smul.u32 $0xF7A, s1;
	s8 =	simm.s32 @!p0 $0x1BF5;
	p2 =	por !p2, p0  }
0x20: {  	[sflag:s8] =	ssyncset.s32 @!p0 $0xFFFFF086;
	s6 =	sadd.s32 @!p0 s3, s7;
	s7 =	simm.s32 @!p0 $0x108  }
0x21: {  	s3 =	sadd.s32 s3, s9;
	s6 =	sadd.s32 @!p0 $0x88, s6;
	s7 =	simm.s32 @p2 $0x1082  }
0x22: {  	[simem:s7], [sflag:s8] =	dma.local @!p0 [hbm:s6], $0xF7A  }
0x23: {  	s9 =	sor.u32 $0xD0000000, s2;
	s6 =	simm.s32 $0x108;
	_ =	swait.ge @!p0 [sflag:s8], $0x0  }
0x24: {  	s3 =	sadd.s32 $0x88, s3;
	s6 =	simm.s32 @!p1 $0x1082;
	[sflag:s4] =	ssyncset.s32 $0xFFFFF086  }
0x25: {  	[simem:s6], [sflag:s4] =	dma.local [hbm:s3], $0xF7A  }
0x26: {  	[smem:$0x3F9B] =	sst s1;
	(tag) =	ssettag s2;
	_ =	strace s9  }
0x27: {  	s1 =	sld [smem:$0x3FAB]  }
0x28: {  	s2 =	sld [smem:$0x3FAC]  }
0x29: {  	s4 =	sld [smem:$0x3FAE]  }
0x2a: {  	p0 =	seq.s32 s5, $0x0;
	s5 =	sld [smem:$0x3FAF]  }
0x2b: {  	s6 =	sld [smem:$0x3FB0]  }
0x2c: {  	s7 =	sld [smem:$0x3FB1]  }
0x2d: {  	s3 =	simm.s32 $0x108;
	s8 =	sld [smem:$0x3FB2]  }
0x2e: {  	s3 =	simm.s32 @!p0 $0x1082;
	s9 =	sld [smem:$0x3FB3]  }
0x2f: {  	lr =	sadd.s32 s0, s3;
	s0 =	sld [smem:$0x3FAA]  }
0x30: {  	s3 =	sld [smem:$0x3FAD]  }
0x31: {  	[smem:$0x3FB6] =	sst s10  }
0x32: {  	s10 =	sld [smem:$0x3FB4];
	_ =	sdelay $0x3  }
0x33: {  	p0 =	seq.s32 s10, $0x1;
	s10 =	sld [smem:$0x3FB6];
	_ =	sdelay $0x3  }
0x34: {  	[smem:$0x3FB6] =	sst s10  }
0x35: {  	s10 =	sld [smem:$0x3FB5];
	_ =	sdelay $0x3  }
0x36: {  	p1 =	seq.s32 s10, $0x1;
	s10 =	sld [smem:$0x3FB6];
	_ =	sdelay $0x3  }
0x37: {  	[smem:$0x3FB6] =	sst s10  }
0x38: {  	s10 =	sld [smem:$0x3FB7]  }
0x39: {  	_ = 	snop;
	(pc) =	sbr.ind lr, $3  }
0x3a: {  	_ = 	snop  }
0x3b: {  	_ = 	snop  }
0x3c: {  	p2 =	seq.s32 s10, $0x1;
	s10 =	sld [smem:$0x3FB6]  }
0x3d: {  	_ =	shalt  }
0x3e: {  	_ =	shalt  }
0x3f: {  	_ =	shalt  }
0x40: {  	_ =	shalt  }
0x41: {  	_ =	shalt  }
0x42: {  	_ =	shalt  }
0x43: {  	_ =	shalt  }
0x44: {  	_ =	shalt  }
0x45: {  	_ =	shalt  }
0x46: {  	_ =	shalt  }
0x47: {  	_ =	shalt  }
0x48: {  	_ =	shalt  }
0x49: {  	_ =	shalt  }
0x4a: {  	_ =	shalt  }
0x4b: {  	_ =	shalt  }
0x4c: {  	_ =	shalt  }
0x4d: {  	_ =	shalt  }
0x4e: {  	_ =	shalt  }
0x4f: {  	_ =	shalt  }
0x50: {  	_ =	shalt  }
0x51: {  	_ =	shalt  }
0x52: {  	_ =	shalt  }
0x53: {  	_ =	shalt  }
0x54: {  	_ =	shalt  }
0x55: {  	_ =	shalt  }
0x56: {  	_ =	shalt  }
0x57: {  	_ =	shalt  }
0x58: {  	_ =	shalt  }
0x59: {  	_ =	shalt  }
0x5a: {  	_ =	shalt  }
0x5b: {  	_ =	shalt  }
0x5c: {  	_ =	shalt  }
0x5d: {  	_ =	shalt  }
0x5e: {  	_ =	shalt  }
0x5f: {  	_ =	shalt  }
0x60: {  	_ =	shalt  }
0x61: {  	_ =	shalt  }
0x62: {  	_ =	shalt  }
0x63: {  	_ =	shalt  }
0x64: {  	_ =	shalt  }
0x65: {  	_ =	shalt  }
0x66: {  	_ =	shalt  }
0x67: {  	_ =	shalt  }
0x68: {  	_ =	shalt  }
0x69: {  	_ =	shalt  }
0x6a: {  	_ =	shalt  }
0x6b: {  	_ =	shalt  }
0x6c: {  	_ =	shalt  }
0x6d: {  	_ =	shalt  }
0x6e: {  	_ =	shalt  }
0x6f: {  	_ =	shalt  }
0x70: {  	_ =	shalt  }
0x71: {  	_ =	shalt  }
0x72: {  	_ =	shalt  }
0x73: {  	_ =	shalt  }
0x74: {  	_ =	shalt  }
0x75: {  	_ =	shalt  }
0x76: {  	_ =	shalt  }
0x77: {  	_ =	shalt  }
0x78: {  	_ =	shalt  }
0x79: {  	_ =	shalt  }
0x7a: {  	_ =	shalt  }
0x7b: {  	_ =	shalt  }
0x7c: {  	_ =	shalt  }
0x7d: {  	_ =	shalt  }
0x7e: {  	_ =	shalt  }
0x7f: {  	_ =	shalt  }
0x80: {  	_ =	shalt  }
0x81: {  	_ =	shalt  }
0x82: {  	_ =	shalt  }
0x83: {  	_ =	shalt  }
0x84: {  	_ =	shalt  }
0x85: {  	_ =	shalt  }
0x86: {  	_ =	shalt  }
0x87: {  	_ =	shalt  }
.Lfunc_end0:
.L_simem_size_0:
called_computation_lowered:
.L_overlay_start_0:
0x88: {  	s2 =	sld [smem:$0x3FD9]  }
0x89: {  	s3 =	sld [smem:$0x3FFE];
	_ =	sdelay $0x1  }
0x8a: {  	s1 =	srdreg.scid  }
0x8b: {  	s0 =	sand.u32 $0x1, s1  }
0x8c: {  	s17 =	sshll.u32 s0, $0xA;
	s2 =	sadd.s32 s3, s2  }
0x8d: {  	s2 =	sadd.s32 s2, s17  }
0x8e: {  	[smem:$0x3FC2] =	sst s2  }
0x8f: {  	_ = 	snop  }
0x90: {  	s2 =	sld [smem:$0x3FD0];
	(tm) =	ssettm $0x1  }
0x91: {  	s18 =	sld [smem:$0x3FFB];
	_ =	sdelay $0x3  }
0x92: {  	_ =	strace s18  }
0x93: {  	s3 =	sld [smem:$0x3FFC];
	_ =	sdelay $0x3  }
0x94: {  	_ =	strace s3  }
0x95: {  	s3 =	sld [smem:$0x3FFD];
	_ =	sdelay $0x3  }
0x96: {  	_ =	strace s3  }
0x97: {  	_ =	strace $0x8FFFFFFF  }
0x98: {  	s19 =	sld [smem:$0x3FDB];
	_ =	sdelay $0x1  }
0x99: {  	s4 =	simm.s32 $_scs_section_size  }
0x9a: {  	s5 =	simm.s32 $_size__tile_overlayer_lowered;
	s6 =	simm.s32 $_tile_overlayer_lowered  }
0x9b: {  	s22 =	simm.s32 $0x1BFF;
	s21 =	sshll.u32 s6, $0x1;
	s3 =	sadd.s32 s4, s19  }
0x9c: {  	s7 =	simm.s32 $0x0;
	s20 =	sshll.u32 s5, $0x1;
	s5 =	sadd.s32 s21, s3  }
0x9d: {  	[timem:s7], [sflag:s22] =	dma.local [hbm:s5], s20  }
0x9e: {  	_ =	swait.ge [sflag:s22], s20  }
0x9f: {  	s4 =	ssub.s32 $0x0, s20;
	[sflag:s22] =	ssyncset.done $0x0  }
0xa0: {  	[sflag:s22] =	ssyncadd.s32 s4;
	_ =	sdelay $0x1  }
0xa1: {  	s23 =	simm.s32 $0x1B8B  }
0xa2: {  	_ =	swait.ge [sflag:s23], $0x1  }
0xa3: {  	[sflag:s23] =	ssyncset.done $0x0  }
0xa4: {  	s25 =	simm.s32 $0x1B8E;
	s24 =	sld [smem:$0x3FFE];
	[sflag:s23] =	ssyncadd.s32 $0xFFFFFFFF  }
0xa5: {  	s26 =	simm.s32 $execute0_lowered;
	[smem:$0x3FD2] =	sst s25  }
0xa6: {  	s5 =	sshll.u32 s26, $0x1;
	_ =	strace $0x80000046;
	[dreg:$0x1] =	wrdreg $0xFFFFFFFF  }
0xa7: {  	s28 =	simm.s32 $_size_execute0_lowered;
	s3 =	sadd.s32 s3, s5;
	[dreg:$0x0] =	wrdreg $0x0  }
0xa8: {  	s5 =	sshll.u32 s28, $0x1;
	[dreg:$0x2] =	wrdreg s3  }
0xa9: {  	[dreg:$0x3] =	wrdreg s5  }
0xaa: {  	[dreg:$0x4] =	wrdreg $0xC0  }
0xab: {  	_ =	task [dreg:s7], $0x5FFFF  }
0xac: {  	[dreg:$0x1] =	wrdreg $0xFFFFFFFF  }
0xad: {  	[dreg:$0x0] =	wrdreg $0x60  }
0xae: {  	[dreg:$0x2] =	wrdreg s2  }
0xaf: {  	[dreg:$0x3] =	wrdreg s24  }
0xb0: {  	[dreg:$0x4] =	wrdreg $0x2F800  }
0xb1: {  	[dreg:$0x5] =	wrdreg $0x9  }
0xb2: {  	_ =	task.clear_ibuf [dreg:s7], $0x6FFFF;
	_ =	strace $0x90000046  }
0xb3: {  	s29 =	simm.s32 $0x9;
	_ =	strace $0x80000048  }
0xb4: {  	_ =	swait.ge [sflag:s29], $0x1  }
0xb5: {  	[sflag:s29] =	ssyncadd.s32 $0xFFFFFFFF  }
0xb6: {  	_ =	strace $0x90000048  }
0xb7: {  	_ =	sfence  }
0xb8: {  	s30 =	sld [smem:$0x0];
	_ =	sdelay $0x2  }
0xb9: {  	s31 =	sshll.u32 s1, $0xD;
	s1 =	sshrl.u32 s1, $0x2  }
0xba: {  	s3 =	sand.u32 $0x4000, s31;
	s1 =	sadd.s32 s1, s30  }
0xbb: {  	s0 =	sor.u32 s3, s0;
	s1 =	sshll.u32 s1, $0x11  }
0xbc: {  	s0 =	sor.u32 s1, s0  }
0xbd: {  	s0 =	sadd.s32 $0x8F2B, s0  }
0xbe: {  	[sflag:s0] =	ssyncadd.remote.s32 $0x1  }
0xbf: {  	_ =	sfence.sel $0xFFFF  }
0xc0: {  	[dreg:$0x0] =	wrdreg $0xFFFFFFFF;
	(pc) =	sbr.abs _section_cstart, $3  }
0xc1: {  	[dreg:$0x1] =	wrdreg $0xFFFFFFFF  }
0xc2: {  	_ =	task.clear_ibuf [dreg:s7], $0x2FFFF;
	_ =	strace $0x9FFFFFFF  }
0xc3: {  	(tm) =	ssettm $0x7FFFFFFF  }
tec
execute0_lowered:
.L_overlay_start_1:
0x0: {  	(tag) =	ssettag $0x1  }
0x1: {  	s5 =	rddreg [dreg:$0x0]  }
0x2: {  	s6 =	rddreg [dreg:$0x1]  }
0x3: {  	s2 =	rddreg [dreg:$0x2]  }
0x4: {  	s0 =	rddreg [dreg:$0x3];
	s3 =	simm.s32 $0x0;
	s1 =	stileid.u32  }
0x5: {  	s4 =	srdreg.scid;
	s13 =	simm.s32 $0x80;
	s14 =	simm.s32 $0x0  }
0x6: {  	[smem:$0x7FF] =	sst s3;
	s7 =	smul.u32 $0x2780, s1;
	s8 =	sand.u32 $0x1, s4  }
0x7: {  	s4 =	sadd.s32 $0x2200, s6;
	s31 =	sshll.u32 s1, $0x6;
	_ =	strace $0x80000047  }
0x8: {  	s9 =	smul.u32 $0x27800, s8;
	s11 =	sshll.u32 s8, $0x4;
	s8 =	ssub.s32 $0x2, s8  }
0x9: {  	s10 =	sshrl.u32 s7, $0x3;
	s11 =	sor.u32 s1, s11;
	s12 =	sshrl.u32 s8, $0x1  }
0xa: {  	s30 =	sadd.s32 s7, s2;
	s9 =	sadd.s32 s7, s9;
	s11 =	smul.u32 $0x4F0, s11  }
0xb: {  	s10 =	sadd.s32 s10, s6;
	s8 =	ssub.s32 s8, s12;
	s9 =	sshrl.u32 s9, $0x3  }
0xc: {  	s12 =	sshrl.u32 s30, $0x3;
	s8 =	smax.u32 s8, $0x1;
	s9 =	sadd.s32 s9, s6  }
0xd: {  	s5 =	sadd.s32 s5, s11;
	s6 =	sadd.s32 $0x2400, s10;
	s10 =	simm.s32 $0x1  }
0xe: {  	s11 =	sor.u32 $0x1C01, s31;
	s7 =	sadd.s32 $0x7400, s9;
	s9 =	simm.s32 $0x2780  }
.LBB2_1:
0xf: {  	[tilespmem:s9], [sflag:$0x1] =	stream.linear.gather [hbm4b:s4+s3], $0x800, $0x38;
	[tilespmem:$0x5700] =	vst v63  }
0x10: {  	_ =	swait.ge [sflag:s10], $0x800  }
0x11: {  	[sflag:s10] =	ssyncset.done $0x0  }
0x12: {  	[sflag:s10] =	ssyncadd.s32 $0xFFFFF800  }
0x13: {  	[tilespmem:s3], [sflag:$0x1] =	stream.linear.gather [hbm4b:s5+s3], $0x2780, $0x38;
	[tilespmem:$0x5700] =	vst v63  }
0x14: {  	_ =	swait.ge [sflag:s10], $0x2780  }
0x15: {  	[sflag:s10] =	ssyncset.done $0x0  }
0x16: {  	[sflag:s10] =	ssyncadd.s32 $0xFFFFD880  }
0x17: {  	[spmem:s12], [sflag:s11] =	dma.local [hbm:s6], $0x4F0  }
0x18: {  	_ =	swait.ge [sflag:s10], $0x4F0  }
0x19: {  	[sflag:s10] =	ssyncset.done $0x0  }
0x1a: {  	[sflag:s10] =	ssyncadd.s32 $0xFFFFFB10  }
0x1b: {  	s15 =	simm.s32 $0x0;
	[bflag:$0x0] =	sbarrier.arrive $0xFFFF  }
0x1c: {  	[spmem:s2] =	stream.indirect.scatter.add.f32 [tilespmem:s9], [sflag:$0x1], $0x10, s15, s13, $0xb8;
	[tilespmem:$0x5700] =	vst v63  }
0x1d: {  	_ =	swait.ge [sflag:s10], $0x800  }
0x1e: {  	s15 =	simm.s32 $0x200;
	[sflag:s10] =	ssyncset.done $0x0  }
.LBB2_2:
0x1f: {  	s16 =	sshra.s32 s15, $0x2;
	[sflag:s10] =	ssyncadd.s32 $0xFFFFF800;
	p0 =	sne.s32 s15, $0x9C00  }
0x20: {  	[spmem:s2] =	stream.indirect.scatter.add.f32 [tilespmem:s9], [sflag:$0x1], $0x10, s16, s13, $0xb8;
	[tilespmem:$0x5700] =	vst v63  }
.Ltmp0:
0x21: {  	_ = 	snop;
	(pc) =	sbr.rel @p0 .LBB2_2-.Ltmp0, $4  }
0x22: {  	_ = 	snop  }
0x23: {  	s15 =	sadd.s32 $0x200, s15  }
0x24: {  	_ =	swait.ge [sflag:s10], $0x800  }
0x25: {  	[sflag:s10] =	ssyncset.done $0x0  }
0x26: {  	s14 =	sadd.s32 $0x1, s14  }
0x27: {  	[sflag:s10] =	ssyncadd.s32 $0xFFFFF800;
	p0 =	sne.s32 s14, s8  }
.Ltmp1:
0x28: {  	[bflag:$0x0] =	sbarrier.arrive $0xFFFF;
	(pc) =	sbr.rel @p0 .LBB2_1-.Ltmp1, $4  }
0x29: {  	[hbm:s7], [sflag:s11] =	dma.local [spmem:s12], $0x4F0  }
0x2a: {  	_ =	swait.ge [sflag:s10], $0x4F0  }
0x2b: {  	[sflag:s10] =	ssyncset.done $0x0  }
0x2c: {  	[sflag:s10] =	ssyncadd.s32 $0xFFFFFB10  }
0x2d: {  	_ =	sfence.sel $0x180000  }
0x2e: {  	[bflag:$0x0] =	sbarrier.arrive $0xFFFF  }
0x2f: {  	p0 =	sne.s32 s1, $0x0;
	_ =	strace $0x90000047  }
0x30: {  	s0 =	sadd.s32 @!p0 $0x100000, s0;
	[bflag:$0x2] =	sbarrier.arrive $0xFFFF  }
0x31: {  	[sflag:s0] =	ssyncadd.tile.s32 @!p0 $0x1;
	_ =	shalt  }
.Lfunc_end2:
_tile_overlayer_lowered:
.L_overlay_start_2:
0x32: {  	(tag) =	ssettag $0x2  }
0x33: {  	s0 =	rddreg [dreg:$0x0];
	s2 =	stileid.u32  }
0x34: {  	s1 =	rddreg [dreg:$0x1];
	p0 =	sne.s32 s2, $0x0  }
0x35: {  	s3 =	rddreg [dreg:$0x2];
	[bflag:$0x3] =	sbarrier.arrive $0xFFFF;
	s2 =	simm.s32 @!p0 $0x1C01  }
0x36: {  	[timem:s3], [sflag:s2] =	dma.local @!p0 [hbm:s0], s1  }
0x37: {  	s0 =	simm.s32 @!p0 $0x1  }
0x38: {  	_ =	swait.ge @!p0 [sflag:s0], s1  }
0x39: {  	s1 =	ssub.s32 @!p0 $0x0, s1;
	[sflag:s0] =	ssyncset.done @!p0 $0x0  }
0x3a: {  	[sflag:s0] =	ssyncadd.s32 @!p0 s1  }
0x3b: {  	[bflag:$0x3] =	sbarrier.arrive $0xFFFF  }
0x3c: {  	_ =	shalt  }

</sc_bundles>
